<compile_context>
chip_gen: v7x
topology: tpu7x:2x2x1
jax: 0.10.2.dev20260603
libtpu: 0.0.44.dev20260713+nightly
codegen_flags: <defaults>
</compile_context>

<pallas_src>
import functools

import jax
import jax.numpy as jnp
from jax import lax
from jax.experimental import pallas as pl
from jax.experimental.pallas import tpu as pltpu
from jax.experimental.pallas import tpu_sc as plsc

NC = 2
NS = 16
NW = NC * NS
L = 16

BATCH = 16384
B_PER_W = BATCH // NW
ROWS_PER_W = B_PER_W // 128


def _gather_body(uv, iv, uidx_hbm, iidx_hbm, ucol_hbm, icol_hbm,
                 uout_hbm, iout_hbm, uidx_v, iidx_v, uval_v, ival_v, sem):
    wid = lax.axis_index("s") * NC + lax.axis_index("c")
    row0 = wid * ROWS_PER_W

    pltpu.sync_copy(uidx_hbm.at[pl.ds(row0, ROWS_PER_W), :], uidx_v)
    pltpu.sync_copy(iidx_hbm.at[pl.ds(row0, ROWS_PER_W), :], iidx_v)

    for j in range(ROWS_PER_W):
        for k in range(128 // L):
            u = uidx_v[j, pl.ds(k * L, L)]
            uidx_v[j, pl.ds(k * L, L)] = jnp.clip(u, 0, uv - 1)
            i = iidx_v[j, pl.ds(k * L, L)]
            iidx_v[j, pl.ds(k * L, L)] = jnp.clip(i, 0, iv - 1)

    copies = []
    for j in range(ROWS_PER_W):
        copies.append(pltpu.make_async_copy(
            ucol_hbm.at[uidx_v.at[j]], uval_v.at[j], sem))
        copies.append(pltpu.make_async_copy(
            icol_hbm.at[iidx_v.at[j]], ival_v.at[j], sem))
    for c in copies:
        c.start()
    for c in copies:
        c.wait()

    pltpu.sync_copy(uval_v, uout_hbm.at[pl.ds(row0, ROWS_PER_W), :])
    pltpu.sync_copy(ival_v, iout_hbm.at[pl.ds(row0, ROWS_PER_W), :])


def _lookup_sc(uidx, iidx, ucol, icol, uv, iv):
    mesh = plsc.VectorSubcoreMesh(core_axis_name="c", subcore_axis_name="s")
    f = pl.kernel(
        functools.partial(_gather_body, uv, iv),
        mesh=mesh,
        out_type=(
            jax.ShapeDtypeStruct((BATCH // 128, 128), jnp.float32),
            jax.ShapeDtypeStruct((BATCH // 128, 128), jnp.float32),
        ),
        scratch_types=[
            pltpu.VMEM((ROWS_PER_W, 128), jnp.int32),
            pltpu.VMEM((ROWS_PER_W, 128), jnp.int32),
            pltpu.VMEM((ROWS_PER_W, 128), jnp.float32),
            pltpu.VMEM((ROWS_PER_W, 128), jnp.float32),
            pltpu.SemaphoreType.DMA,
        ],
    )
    return f(uidx, iidx, ucol, icol)


def kernel(x, uid_weight, iid_weight):
    uidx = x[:, 0].reshape(BATCH // 128, 128)
    iidx = x[:, 1].reshape(BATCH // 128, 128)
    ucol = uid_weight[:, 0]
    icol = iid_weight[:, 0]
    uvals, ivals = _lookup_sc(uidx, iidx, ucol, icol,
                              uid_weight.shape[0], iid_weight.shape[0])
    return jnp.stack([uvals.reshape(BATCH), ivals.reshape(BATCH)], axis=1)

# --- scband reference (transcript-rebuilt; emitter-appended) ---
"""Pipeline reference for scband-lookup-embedding-420906795501 (READ-ONLY COPY).

The authoritative reference and input builder live on the scoring server;
editing this copy changes nothing except your own understanding.
"""

import jax, jax.numpy as jnp
import numpy as np

UID_ALL = 1000000
IID_ALL = 1000000
EMB_DIM = 64
BATCH = 16384


def setup_inputs(seed: int = 0) -> dict:
    key = jax.random.key(seed)
    k1, k2, k3 = jax.random.split(key, 3)
    x = jax.random.randint(k1, (BATCH, 2), 0, UID_ALL, dtype=jnp.int64) if jax.config.jax_enable_x64 else jax.random.randint(k1, (BATCH, 2), 0, UID_ALL).astype(jnp.int32)
    uid_weight = jax.random.normal(k2, (UID_ALL, EMB_DIM), dtype=jnp.float32)
    iid_weight = jax.random.normal(k3, (IID_ALL + 1, EMB_DIM), dtype=jnp.float32)
    return {"x": x, "uid_weight": uid_weight, "iid_weight": iid_weight}


def reference(x, uid_weight, iid_weight):
    # Faithful translation of LookupEmbedding.forward.
    uid_indices = x[:, 0]
    iid_indices = x[:, 1]
    uid_indices = jnp.clip(uid_indices, 0, uid_weight.shape[0] - 1)
    iid_indices = jnp.clip(iid_indices, 0, iid_weight.shape[0] - 1)
    # torch.gather(weight, 0, idx.view(-1, 1)).squeeze(1) gathers only
    # column 0 of the weight matrix: out[i] = weight[idx[i], 0].
    uid_emb = uid_weight[uid_indices, 0]
    iid_emb = iid_weight[iid_indices, 0]
    emb = jnp.stack([uid_emb, iid_emb], axis=1)
    return emb

if __name__ == "__main__":
    import jax
    _d = setup_inputs()
    print(jax.jit(kernel)(*tuple(_d.values())))

</pallas_src>

<mosaic_0001>
#map = affine_map<(d0, d1) -> (0, 0)>
#map1 = affine_map<(d0, d1) -> (0)>
module attributes {stable_mosaic.version = 14 : i64} {
  func.func @_gather_body(%arg0: i32, %arg1: i32, %arg2: memref<128x128xi32, #tpu.memory_space<hbm>>, %arg3: memref<128x128xi32, #tpu.memory_space<hbm>>, %arg4: memref<1000000xf32, #tpu.memory_space<hbm>>, %arg5: memref<1000001xf32, #tpu.memory_space<hbm>>, %arg6: memref<128x128xf32, #tpu.memory_space<hbm>>, %arg7: memref<128x128xf32, #tpu.memory_space<hbm>>, %arg8: memref<4x128xi32, #tpu.memory_space<vmem>>, %arg9: memref<4x128xi32, #tpu.memory_space<vmem>>, %arg10: memref<4x128xf32, #tpu.memory_space<vmem>>, %arg11: memref<4x128xf32, #tpu.memory_space<vmem>>, %arg12: memref<!tpu.dma_semaphore, #tpu.memory_space<semaphore_mem>>) attributes {dimension_semantics = [#tpu.dimension_semantics<core_parallel>, #tpu.dimension_semantics<subcore_parallel>], iteration_bounds = array<i64: 2, 16>, scalar_prefetch = 0 : i64, scratch_operands = 5 : i64, tpu.core_type = #tpu.core_type<sc_vector_subcore>, window_params = [{transform_indices = #map}, {transform_indices = #map}, {transform_indices = #map1}, {transform_indices = #map1}, {transform_indices = #map}, {transform_indices = #map}]} {
    %mul3A = arith.constant 2 : i32
    %mul3A_0 = arith.muli %arg1, %mul3A : i32
    %add3A = arith.addi %mul3A_0, %arg0 : i32
    %mul3A_1 = arith.constant 4 : i32
    %mul3A_2 = arith.muli %add3A, %mul3A_1 : i32
    "tpu.region"() ({
      %run_scoped3A = tpu.sem_alloc : memref<!tpu.dma_semaphore, #tpu.memory_space<semaphore_mem>>
      %dma_start3A_1244 = arith.constant 0 : i32
      %dma_start3A_1245 = tpu.memref_slice %arg2[%mul3A_2, %dma_start3A_1244] : memref<128x128xi32, #tpu.memory_space<hbm>> -> memref<4x128xi32, #tpu.memory_space<hbm>>
      %dma_start3A_1246 = arith.constant 0 : i32
      %dma_start3A_1247 = tpu.memref_slice %arg2[%mul3A_2, %dma_start3A_1246] : memref<128x128xi32, #tpu.memory_space<hbm>> -> memref<4x128xi32, #tpu.memory_space<hbm>>
      tpu.enqueue_dma source(%dma_start3A_1247 : memref<4x128xi32, #tpu.memory_space<hbm>>) target(%arg8 : memref<4x128xi32, #tpu.memory_space<vmem>>) target_semaphore(%run_scoped3A : memref<!tpu.dma_semaphore, #tpu.memory_space<semaphore_mem>>)
      %dma_wait3A_1248 = arith.constant 0 : i32
      %dma_wait3A_1249 = tpu.memref_slice %arg2[%mul3A_2, %dma_wait3A_1248] : memref<128x128xi32, #tpu.memory_space<hbm>> -> memref<4x128xi32, #tpu.memory_space<hbm>>
      %dma_wait3A_1250 = arith.constant 0 : i32
      %dma_wait3A_1251 = tpu.memref_slice %arg2[%mul3A_2, %dma_wait3A_1250] : memref<128x128xi32, #tpu.memory_space<hbm>> -> memref<4x128xi32, #tpu.memory_space<hbm>>
      tpu.wait_dma2 semaphore(%run_scoped3A : memref<!tpu.dma_semaphore, #tpu.memory_space<semaphore_mem>>) src(%dma_wait3A_1251 : memref<4x128xi32, #tpu.memory_space<hbm>>) dst(%arg8 : memref<4x128xi32, #tpu.memory_space<vmem>>)
      tpu.yield
    }) : () -> ()
    "tpu.region"() ({
      %run_scoped3A = tpu.sem_alloc : memref<!tpu.dma_semaphore, #tpu.memory_space<semaphore_mem>>
      %dma_start3A_1244 = arith.constant 0 : i32
      %dma_start3A_1245 = tpu.memref_slice %arg3[%mul3A_2, %dma_start3A_1244] : memref<128x128xi32, #tpu.memory_space<hbm>> -> memref<4x128xi32, #tpu.memory_space<hbm>>
      %dma_start3A_1246 = arith.constant 0 : i32
      %dma_start3A_1247 = tpu.memref_slice %arg3[%mul3A_2, %dma_start3A_1246] : memref<128x128xi32, #tpu.memory_space<hbm>> -> memref<4x128xi32, #tpu.memory_space<hbm>>
      tpu.enqueue_dma source(%dma_start3A_1247 : memref<4x128xi32, #tpu.memory_space<hbm>>) target(%arg9 : memref<4x128xi32, #tpu.memory_space<vmem>>) target_semaphore(%run_scoped3A : memref<!tpu.dma_semaphore, #tpu.memory_space<semaphore_mem>>)
      %dma_wait3A_1248 = arith.constant 0 : i32
      %dma_wait3A_1249 = tpu.memref_slice %arg3[%mul3A_2, %dma_wait3A_1248] : memref<128x128xi32, #tpu.memory_space<hbm>> -> memref<4x128xi32, #tpu.memory_space<hbm>>
      %dma_wait3A_1250 = arith.constant 0 : i32
      %dma_wait3A_1251 = tpu.memref_slice %arg3[%mul3A_2, %dma_wait3A_1250] : memref<128x128xi32, #tpu.memory_space<hbm>> -> memref<4x128xi32, #tpu.memory_space<hbm>>
      tpu.wait_dma2 semaphore(%run_scoped3A : memref<!tpu.dma_semaphore, #tpu.memory_space<semaphore_mem>>) src(%dma_wait3A_1251 : memref<4x128xi32, #tpu.memory_space<hbm>>) dst(%arg9 : memref<4x128xi32, #tpu.memory_space<vmem>>)
      tpu.yield
    }) : () -> ()
    %get3A = arith.constant 0 : i32
    %get3A_3 = arith.index_cast %get3A : i32 to index
    %get3A_4 = arith.constant 0 : index
    %get3A_5 = tpu.vector_load %arg8[%get3A_3, %get3A_4] {strides = array<i32>} : memref<4x128xi32, #tpu.memory_space<vmem>>, vector<1x16xi32>,
    %get3A_6 = vector.shape_cast %get3A_5 : vector<1x16xi32> to vector<16xi32>
    %jit3A = arith.constant 0 : i32
    %jit3A_7 = arith.constant 999999 : i32
    %max3A = vector.broadcast %jit3A : i32 to vector<16xi32>
    %max3A_8 = arith.maxsi %max3A, %get3A_6 : vector<16xi32>
    %min3A = vector.broadcast %jit3A_7 : i32 to vector<16xi32>
    %min3A_9 = arith.minsi %min3A, %max3A_8 : vector<16xi32>
    %swap3A = arith.constant 0 : i32
    %swap3A_10 = arith.index_cast %swap3A : i32 to index
    %swap3A_11 = arith.constant 0 : index
    %swap3A_12 = tpu.vector_load %arg8[%swap3A_10, %swap3A_11] {strides = array<i32>} : memref<4x128xi32, #tpu.memory_space<vmem>>, vector<1x16xi32>,
    %swap3A_13 = vector.shape_cast %swap3A_12 : vector<1x16xi32> to vector<16xi32>
    %swap3A_14 = vector.shape_cast %min3A_9 : vector<16xi32> to vector<1x16xi32>
    tpu.vector_store %arg8[%swap3A_10, %swap3A_11], %swap3A_14 {strides = array<i32>} : memref<4x128xi32, #tpu.memory_space<vmem>>, vector<1x16xi32>,
    %get3A_15 = arith.constant 0 : i32
    %get3A_16 = arith.index_cast %get3A_15 : i32 to index
    %get3A_17 = arith.constant 0 : index
    %get3A_18 = tpu.vector_load %arg9[%get3A_16, %get3A_17] {strides = array<i32>} : memref<4x128xi32, #tpu.memory_space<vmem>>, vector<1x16xi32>,
    %get3A_19 = vector.shape_cast %get3A_18 : vector<1x16xi32> to vector<16xi32>
    %jit3A_20 = arith.constant 0 : i32
    %jit3A_21 = arith.constant 1000000 : i32
    %max3A_22 = vector.broadcast %jit3A_20 : i32 to vector<16xi32>
    %max3A_23 = arith.maxsi %max3A_22, %get3A_19 : vector<16xi32>
    %min3A_24 = vector.broadcast %jit3A_21 : i32 to vector<16xi32>
    %min3A_25 = arith.minsi %min3A_24, %max3A_23 : vector<16xi32>
    %swap3A_26 = arith.constant 0 : i32
    %swap3A_27 = arith.index_cast %swap3A_26 : i32 to index
    %swap3A_28 = arith.constant 0 : index
    %swap3A_29 = tpu.vector_load %arg9[%swap3A_27, %swap3A_28] {strides = array<i32>} : memref<4x128xi32, #tpu.memory_space<vmem>>, vector<1x16xi32>,
    %swap3A_30 = vector.shape_cast %swap3A_29 : vector<1x16xi32> to vector<16xi32>
    %swap3A_31 = vector.shape_cast %min3A_25 : vector<16xi32> to vector<1x16xi32>
    tpu.vector_store %arg9[%swap3A_27, %swap3A_28], %swap3A_31 {strides = array<i32>} : memref<4x128xi32, #tpu.memory_space<vmem>>, vector<1x16xi32>,
    %get3A_32 = arith.constant 0 : i32
    %get3A_33 = arith.index_cast %get3A_32 : i32 to index
    %get3A_34 = arith.constant 16 : index
    %get3A_35 = tpu.vector_load %arg8[%get3A_33, %get3A_34] {strides = array<i32>} : memref<4x128xi32, #tpu.memory_space<vmem>>, vector<1x16xi32>,
    %get3A_36 = vector.shape_cast %get3A_35 : vector<1x16xi32> to vector<16xi32>
    %jit3A_37 = arith.constant 0 : i32
    %jit3A_38 = arith.constant 999999 : i32
    %max3A_39 = vector.broadcast %jit3A_37 : i32 to vector<16xi32>
    %max3A_40 = arith.maxsi %max3A_39, %get3A_36 : vector<16xi32>
    %min3A_41 = vector.broadcast %jit3A_38 : i32 to vector<16xi32>
    %min3A_42 = arith.minsi %min3A_41, %max3A_40 : vector<16xi32>
    %swap3A_43 = arith.constant 0 : i32
    %swap3A_44 = arith.index_cast %swap3A_43 : i32 to index
    %swap3A_45 = arith.constant 16 : index
    %swap3A_46 = tpu.vector_load %arg8[%swap3A_44, %swap3A_45] {strides = array<i32>} : memref<4x128xi32, #tpu.memory_space<vmem>>, vector<1x16xi32>,
    %swap3A_47 = vector.shape_cast %swap3A_46 : vector<1x16xi32> to vector<16xi32>
    %swap3A_48 = vector.shape_cast %min3A_42 : vector<16xi32> to vector<1x16xi32>
    tpu.vector_store %arg8[%swap3A_44, %swap3A_45], %swap3A_48 {strides = array<i32>} : memref<4x128xi32, #tpu.memory_space<vmem>>, vector<1x16xi32>,
    %get3A_49 = arith.constant 0 : i32
    %get3A_50 = arith.index_cast %get3A_49 : i32 to index
    %get3A_51 = arith.constant 16 : index
    %get3A_52 = tpu.vector_load %arg9[%get3A_50, %get3A_51] {strides = array<i32>} : memref<4x128xi32, #tpu.memory_space<vmem>>, vector<1x16xi32>,
    %get3A_53 = vector.shape_cast %get3A_52 : vector<1x16xi32> to vector<16xi32>
    %jit3A_54 = arith.constant 0 : i32
    %jit3A_55 = arith.constant 1000000 : i32
    %max3A_56 = vector.broadcast %jit3A_54 : i32 to vector<16xi32>
    %max3A_57 = arith.maxsi %max3A_56, %get3A_53 : vector<16xi32>
    %min3A_58 = vector.broadcast %jit3A_55 : i32 to vector<16xi32>
    %min3A_59 = arith.minsi %min3A_58, %max3A_57 : vector<16xi32>
    %swap3A_60 = arith.constant 0 : i32
    %swap3A_61 = arith.index_cast %swap3A_60 : i32 to index
    %swap3A_62 = arith.constant 16 : index
    %swap3A_63 = tpu.vector_load %arg9[%swap3A_61, %swap3A_62] {strides = array<i32>} : memref<4x128xi32, #tpu.memory_space<vmem>>, vector<1x16xi32>,
    %swap3A_64 = vector.shape_cast %swap3A_63 : vector<1x16xi32> to vector<16xi32>
    %swap3A_65 = vector.shape_cast %min3A_59 : vector<16xi32> to vector<1x16xi32>
    tpu.vector_store %arg9[%swap3A_61, %swap3A_62], %swap3A_65 {strides = array<i32>} : memref<4x128xi32, #tpu.memory_space<vmem>>, vector<1x16xi32>,
    %get3A_66 = arith.constant 0 : i32
    %get3A_67 = arith.index_cast %get3A_66 : i32 to index
    %get3A_68 = arith.constant 32 : index
    %get3A_69 = tpu.vector_load %arg8[%get3A_67, %get3A_68] {strides = array<i32>} : memref<4x128xi32, #tpu.memory_space<vmem>>, vector<1x16xi32>,
    %get3A_70 = vector.shape_cast %get3A_69 : vector<1x16xi32> to vector<16xi32>
    %jit3A_71 = arith.constant 0 : i32
    %jit3A_72 = arith.constant 999999 : i32
    %max3A_73 = vector.broadcast %jit3A_71 : i32 to vector<16xi32>
    %max3A_74 = arith.maxsi %max3A_73, %get3A_70 : vector<16xi32>
    %min3A_75 = vector.broadcast %jit3A_72 : i32 to vector<16xi32>
    %min3A_76 = arith.minsi %min3A_75, %max3A_74 : vector<16xi32>
    %swap3A_77 = arith.constant 0 : i32
    %swap3A_78 = arith.index_cast %swap3A_77 : i32 to index
    %swap3A_79 = arith.constant 32 : index
    %swap3A_80 = tpu.vector_load %arg8[%swap3A_78, %swap3A_79] {strides = array<i32>} : memref<4x128xi32, #tpu.memory_space<vmem>>, vector<1x16xi32>,
    %swap3A_81 = vector.shape_cast %swap3A_80 : vector<1x16xi32> to vector<16xi32>
    %swap3A_82 = vector.shape_cast %min3A_76 : vector<16xi32> to vector<1x16xi32>
    tpu.vector_store %arg8[%swap3A_78, %swap3A_79], %swap3A_82 {strides = array<i32>} : memref<4x128xi32, #tpu.memory_space<vmem>>, vector<1x16xi32>,
    %get3A_83 = arith.constant 0 : i32
    %get3A_84 = arith.index_cast %get3A_83 : i32 to index
    %get3A_85 = arith.constant 32 : index
    %get3A_86 = tpu.vector_load %arg9[%get3A_84, %get3A_85] {strides = array<i32>} : memref<4x128xi32, #tpu.memory_space<vmem>>, vector<1x16xi32>,
    %get3A_87 = vector.shape_cast %get3A_86 : vector<1x16xi32> to vector<16xi32>
    %jit3A_88 = arith.constant 0 : i32
    %jit3A_89 = arith.constant 1000000 : i32
    %max3A_90 = vector.broadcast %jit3A_88 : i32 to vector<16xi32>
    %max3A_91 = arith.maxsi %max3A_90, %get3A_87 : vector<16xi32>
    %min3A_92 = vector.broadcast %jit3A_89 : i32 to vector<16xi32>
    %min3A_93 = arith.minsi %min3A_92, %max3A_91 : vector<16xi32>
    %swap3A_94 = arith.constant 0 : i32
    %swap3A_95 = arith.index_cast %swap3A_94 : i32 to index
    %swap3A_96 = arith.constant 32 : index
    %swap3A_97 = tpu.vector_load %arg9[%swap3A_95, %swap3A_96] {strides = array<i32>} : memref<4x128xi32, #tpu.memory_space<vmem>>, vector<1x16xi32>,
    %swap3A_98 = vector.shape_cast %swap3A_97 : vector<1x16xi32> to vector<16xi32>
    %swap3A_99 = vector.shape_cast %min3A_93 : vector<16xi32> to vector<1x16xi32>
    tpu.vector_store %arg9[%swap3A_95, %swap3A_96], %swap3A_99 {strides = array<i32>} : memref<4x128xi32, #tpu.memory_space<vmem>>, vector<1x16xi32>,
    %get3A_100 = arith.constant 0 : i32
    %get3A_101 = arith.index_cast %get3A_100 : i32 to index
    %get3A_102 = arith.constant 48 : index
    %get3A_103 = tpu.vector_load %arg8[%get3A_101, %get3A_102] {strides = array<i32>} : memref<4x128xi32, #tpu.memory_space<vmem>>, vector<1x16xi32>,
    %get3A_104 = vector.shape_cast %get3A_103 : vector<1x16xi32> to vector<16xi32>
    %jit3A_105 = arith.constant 0 : i32
    %jit3A_106 = arith.constant 999999 : i32
    %max3A_107 = vector.broadcast %jit3A_105 : i32 to vector<16xi32>
    %max3A_108 = arith.maxsi %max3A_107, %get3A_104 : vector<16xi32>
    %min3A_109 = vector.broadcast %jit3A_106 : i32 to vector<16xi32>
    %min3A_110 = arith.minsi %min3A_109, %max3A_108 : vector<16xi32>
    %swap3A_111 = arith.constant 0 : i32
    %swap3A_112 = arith.index_cast %swap3A_111 : i32 to index
    %swap3A_113 = arith.constant 48 : index
    %swap3A_114 = tpu.vector_load %arg8[%swap3A_112, %swap3A_113] {strides = array<i32>} : memref<4x128xi32, #tpu.memory_space<vmem>>, vector<1x16xi32>,
    %swap3A_115 = vector.shape_cast %swap3A_114 : vector<1x16xi32> to vector<16xi32>
    %swap3A_116 = vector.shape_cast %min3A_110 : vector<16xi32> to vector<1x16xi32>
    tpu.vector_store %arg8[%swap3A_112, %swap3A_113], %swap3A_116 {strides = array<i32>} : memref<4x128xi32, #tpu.memory_space<vmem>>, vector<1x16xi32>,
    %get3A_117 = arith.constant 0 : i32
    %get3A_118 = arith.index_cast %get3A_117 : i32 to index
    %get3A_119 = arith.constant 48 : index
    %get3A_120 = tpu.vector_load %arg9[%get3A_118, %get3A_119] {strides = array<i32>} : memref<4x128xi32, #tpu.memory_space<vmem>>, vector<1x16xi32>,
    %get3A_121 = vector.shape_cast %get3A_120 : vector<1x16xi32> to vector<16xi32>
    %jit3A_122 = arith.constant 0 : i32
    %jit3A_123 = arith.constant 1000000 : i32
    %max3A_124 = vector.broadcast %jit3A_122 : i32 to vector<16xi32>
    %max3A_125 = arith.maxsi %max3A_124, %get3A_121 : vector<16xi32>
    %min3A_126 = vector.broadcast %jit3A_123 : i32 to vector<16xi32>
    %min3A_127 = arith.minsi %min3A_126, %max3A_125 : vector<16xi32>
    %swap3A_128 = arith.constant 0 : i32
    %swap3A_129 = arith.index_cast %swap3A_128 : i32 to index
    %swap3A_130 = arith.constant 48 : index
    %swap3A_131 = tpu.vector_load %arg9[%swap3A_129, %swap3A_130] {strides = array<i32>} : memref<4x128xi32, #tpu.memory_space<vmem>>, vector<1x16xi32>,
    %swap3A_132 = vector.shape_cast %swap3A_131 : vector<1x16xi32> to vector<16xi32>
    %swap3A_133 = vector.shape_cast %min3A_127 : vector<16xi32> to vector<1x16xi32>
    tpu.vector_store %arg9[%swap3A_129, %swap3A_130], %swap3A_133 {strides = array<i32>} : memref<4x128xi32, #tpu.memory_space<vmem>>, vector<1x16xi32>,
    %get3A_134 = arith.constant 0 : i32
    %get3A_135 = arith.index_cast %get3A_134 : i32 to index
    %get3A_136 = arith.constant 64 : index
    %get3A_137 = tpu.vector_load %arg8[%get3A_135, %get3A_136] {strides = array<i32>} : memref<4x128xi32, #tpu.memory_space<vmem>>, vector<1x16xi32>,
    %get3A_138 = vector.shape_cast %get3A_137 : vector<1x16xi32> to vector<16xi32>
    %jit3A_139 = arith.constant 0 : i32
    %jit3A_140 = arith.constant 999999 : i32
    %max3A_141 = vector.broadcast %jit3A_139 : i32 to vector<16xi32>
    %max3A_142 = arith.maxsi %max3A_141, %get3A_138 : vector<16xi32>
    %min3A_143 = vector.broadcast %jit3A_140 : i32 to vector<16xi32>
    %min3A_144 = arith.minsi %min3A_143, %max3A_142 : vector<16xi32>
    %swap3A_145 = arith.constant 0 : i32
    %swap3A_146 = arith.index_cast %swap3A_145 : i32 to index
    %swap3A_147 = arith.constant 64 : index
    %swap3A_148 = tpu.vector_load %arg8[%swap3A_146, %swap3A_147] {strides = array<i32>} : memref<4x128xi32, #tpu.memory_space<vmem>>, vector<1x16xi32>,
    %swap3A_149 = vector.shape_cast %swap3A_148 : vector<1x16xi32> to vector<16xi32>
    %swap3A_150 = vector.shape_cast %min3A_144 : vector<16xi32> to vector<1x16xi32>
    tpu.vector_store %arg8[%swap3A_146, %swap3A_147], %swap3A_150 {strides = array<i32>} : memref<4x128xi32, #tpu.memory_space<vmem>>, vector<1x16xi32>,
    %get3A_151 = arith.constant 0 : i32
    %get3A_152 = arith.index_cast %get3A_151 : i32 to index
    %get3A_153 = arith.constant 64 : index
    %get3A_154 = tpu.vector_load %arg9[%get3A_152, %get3A_153] {strides = array<i32>} : memref<4x128xi32, #tpu.memory_space<vmem>>, vector<1x16xi32>,
    %get3A_155 = vector.shape_cast %get3A_154 : vector<1x16xi32> to vector<16xi32>
    %jit3A_156 = arith.constant 0 : i32
    %jit3A_157 = arith.constant 1000000 : i32
    %max3A_158 = vector.broadcast %jit3A_156 : i32 to vector<16xi32>
    %max3A_159 = arith.maxsi %max3A_158, %get3A_155 : vector<16xi32>
    %min3A_160 = vector.broadcast %jit3A_157 : i32 to vector<16xi32>
    %min3A_161 = arith.minsi %min3A_160, %max3A_159 : vector<16xi32>
    %swap3A_162 = arith.constant 0 : i32
    %swap3A_163 = arith.index_cast %swap3A_162 : i32 to index
    %swap3A_164 = arith.constant 64 : index
    %swap3A_165 = tpu.vector_load %arg9[%swap3A_163, %swap3A_164] {strides = array<i32>} : memref<4x128xi32, #tpu.memory_space<vmem>>, vector<1x16xi32>,
    %swap3A_166 = vector.shape_cast %swap3A_165 : vector<1x16xi32> to vector<16xi32>
    %swap3A_167 = vector.shape_cast %min3A_161 : vector<16xi32> to vector<1x16xi32>
    tpu.vector_store %arg9[%swap3A_163, %swap3A_164], %swap3A_167 {strides = array<i32>} : memref<4x128xi32, #tpu.memory_space<vmem>>, vector<1x16xi32>,
    %get3A_168 = arith.constant 0 : i32
    %get3A_169 = arith.index_cast %get3A_168 : i32 to index
    %get3A_170 = arith.constant 80 : index
    %get3A_171 = tpu.vector_load %arg8[%get3A_169, %get3A_170] {strides = array<i32>} : memref<4x128xi32, #tpu.memory_space<vmem>>, vector<1x16xi32>,
    %get3A_172 = vector.shape_cast %get3A_171 : vector<1x16xi32> to vector<16xi32>
    %jit3A_173 = arith.constant 0 : i32
    %jit3A_174 = arith.constant 999999 : i32
    %max3A_175 = vector.broadcast %jit3A_173 : i32 to vector<16xi32>
    %max3A_176 = arith.maxsi %max3A_175, %get3A_172 : vector<16xi32>
    %min3A_177 = vector.broadcast %jit3A_174 : i32 to vector<16xi32>
    %min3A_178 = arith.minsi %min3A_177, %max3A_176 : vector<16xi32>
    %swap3A_179 = arith.constant 0 : i32
    %swap3A_180 = arith.index_cast %swap3A_179 : i32 to index
    %swap3A_181 = arith.constant 80 : index
    %swap3A_182 = tpu.vector_load %arg8[%swap3A_180, %swap3A_181] {strides = array<i32>} : memref<4x128xi32, #tpu.memory_space<vmem>>, vector<1x16xi32>,
    %swap3A_183 = vector.shape_cast %swap3A_182 : vector<1x16xi32> to vector<16xi32>
    %swap3A_184 = vector.shape_cast %min3A_178 : vector<16xi32> to vector<1x16xi32>
    tpu.vector_store %arg8[%swap3A_180, %swap3A_181], %swap3A_184 {strides = array<i32>} : memref<4x128xi32, #tpu.memory_space<vmem>>, vector<1x16xi32>,
    %get3A_185 = arith.constant 0 : i32
    %get3A_186 = arith.index_cast %get3A_185 : i32 to index
    %get3A_187 = arith.constant 80 : index
    %get3A_188 = tpu.vector_load %arg9[%get3A_186, %get3A_187] {strides = array<i32>} : memref<4x128xi32, #tpu.memory_space<vmem>>, vector<1x16xi32>,
    %get3A_189 = vector.shape_cast %get3A_188 : vector<1x16xi32> to vector<16xi32>
    %jit3A_190 = arith.constant 0 : i32
    %jit3A_191 = arith.constant 1000000 : i32
    %max3A_192 = vector.broadcast %jit3A_190 : i32 to vector<16xi32>
    %max3A_193 = arith.maxsi %max3A_192, %get3A_189 : vector<16xi32>
    %min3A_194 = vector.broadcast %jit3A_191 : i32 to vector<16xi32>
    %min3A_195 = arith.minsi %min3A_194, %max3A_193 : vector<16xi32>
    %swap3A_196 = arith.constant 0 : i32
    %swap3A_197 = arith.index_cast %swap3A_196 : i32 to index
    %swap3A_198 = arith.constant 80 : index
    %swap3A_199 = tpu.vector_load %arg9[%swap3A_197, %swap3A_198] {strides = array<i32>} : memref<4x128xi32, #tpu.memory_space<vmem>>, vector<1x16xi32>,
    %swap3A_200 = vector.shape_cast %swap3A_199 : vector<1x16xi32> to vector<16xi32>
    %swap3A_201 = vector.shape_cast %min3A_195 : vector<16xi32> to vector<1x16xi32>
    tpu.vector_store %arg9[%swap3A_197, %swap3A_198], %swap3A_201 {strides = array<i32>} : memref<4x128xi32, #tpu.memory_space<vmem>>, vector<1x16xi32>,
    %get3A_202 = arith.constant 0 : i32
    %get3A_203 = arith.index_cast %get3A_202 : i32 to index
    %get3A_204 = arith.constant 96 : index
    %get3A_205 = tpu.vector_load %arg8[%get3A_203, %get3A_204] {strides = array<i32>} : memref<4x128xi32, #tpu.memory_space<vmem>>, vector<1x16xi32>,
    %get3A_206 = vector.shape_cast %get3A_205 : vector<1x16xi32> to vector<16xi32>
    %jit3A_207 = arith.constant 0 : i32
    %jit3A_208 = arith.constant 999999 : i32
    %max3A_209 = vector.broadcast %jit3A_207 : i32 to vector<16xi32>
    %max3A_210 = arith.maxsi %max3A_209, %get3A_206 : vector<16xi32>
    %min3A_211 = vector.broadcast %jit3A_208 : i32 to vector<16xi32>
    %min3A_212 = arith.minsi %min3A_211, %max3A_210 : vector<16xi32>
    %swap3A_213 = arith.constant 0 : i32
    %swap3A_214 = arith.index_cast %swap3A_213 : i32 to index
    %swap3A_215 = arith.constant 96 : index
    %swap3A_216 = tpu.vector_load %arg8[%swap3A_214, %swap3A_215] {strides = array<i32>} : memref<4x128xi32, #tpu.memory_space<vmem>>, vector<1x16xi32>,
    %swap3A_217 = vector.shape_cast %swap3A_216 : vector<1x16xi32> to vector<16xi32>
    %swap3A_218 = vector.shape_cast %min3A_212 : vector<16xi32> to vector<1x16xi32>
    tpu.vector_store %arg8[%swap3A_214, %swap3A_215], %swap3A_218 {strides = array<i32>} : memref<4x128xi32, #tpu.memory_space<vmem>>, vector<1x16xi32>,
    %get3A_219 = arith.constant 0 : i32
    %get3A_220 = arith.index_cast %get3A_219 : i32 to index
    %get3A_221 = arith.constant 96 : index
    %get3A_222 = tpu.vector_load %arg9[%get3A_220, %get3A_221] {strides = array<i32>} : memref<4x128xi32, #tpu.memory_space<vmem>>, vector<1x16xi32>,
    %get3A_223 = vector.shape_cast %get3A_222 : vector<1x16xi32> to vector<16xi32>
    %jit3A_224 = arith.constant 0 : i32
    %jit3A_225 = arith.constant 1000000 : i32
    %max3A_226 = vector.broadcast %jit3A_224 : i32 to vector<16xi32>
    %max3A_227 = arith.maxsi %max3A_226, %get3A_223 : vector<16xi32>
    %min3A_228 = vector.broadcast %jit3A_225 : i32 to vector<16xi32>
    %min3A_229 = arith.minsi %min3A_228, %max3A_227 : vector<16xi32>
    %swap3A_230 = arith.constant 0 : i32
    %swap3A_231 = arith.index_cast %swap3A_230 : i32 to index
    %swap3A_232 = arith.constant 96 : index
    %swap3A_233 = tpu.vector_load %arg9[%swap3A_231, %swap3A_232] {strides = array<i32>} : memref<4x128xi32, #tpu.memory_space<vmem>>, vector<1x16xi32>,
    %swap3A_234 = vector.shape_cast %swap3A_233 : vector<1x16xi32> to vector<16xi32>
    %swap3A_235 = vector.shape_cast %min3A_229 : vector<16xi32> to vector<1x16xi32>
    tpu.vector_store %arg9[%swap3A_231, %swap3A_232], %swap3A_235 {strides = array<i32>} : memref<4x128xi32, #tpu.memory_space<vmem>>, vector<1x16xi32>,
    %get3A_236 = arith.constant 0 : i32
    %get3A_237 = arith.index_cast %get3A_236 : i32 to index
    %get3A_238 = arith.constant 112 : index
    %get3A_239 = tpu.vector_load %arg8[%get3A_237, %get3A_238] {strides = array<i32>} : memref<4x128xi32, #tpu.memory_space<vmem>>, vector<1x16xi32>,
    %get3A_240 = vector.shape_cast %get3A_239 : vector<1x16xi32> to vector<16xi32>
    %jit3A_241 = arith.constant 0 : i32
    %jit3A_242 = arith.constant 999999 : i32
    %max3A_243 = vector.broadcast %jit3A_241 : i32 to vector<16xi32>
    %max3A_244 = arith.maxsi %max3A_243, %get3A_240 : vector<16xi32>
    %min3A_245 = vector.broadcast %jit3A_242 : i32 to vector<16xi32>
    %min3A_246 = arith.minsi %min3A_245, %max3A_244 : vector<16xi32>
    %swap3A_247 = arith.constant 0 : i32
    %swap3A_248 = arith.index_cast %swap3A_247 : i32 to index
    %swap3A_249 = arith.constant 112 : index
    %swap3A_250 = tpu.vector_load %arg8[%swap3A_248, %swap3A_249] {strides = array<i32>} : memref<4x128xi32, #tpu.memory_space<vmem>>, vector<1x16xi32>,
    %swap3A_251 = vector.shape_cast %swap3A_250 : vector<1x16xi32> to vector<16xi32>
    %swap3A_252 = vector.shape_cast %min3A_246 : vector<16xi32> to vector<1x16xi32>
    tpu.vector_store %arg8[%swap3A_248, %swap3A_249], %swap3A_252 {strides = array<i32>} : memref<4x128xi32, #tpu.memory_space<vmem>>, vector<1x16xi32>,
    %get3A_253 = arith.constant 0 : i32
    %get3A_254 = arith.index_cast %get3A_253 : i32 to index
    %get3A_255 = arith.constant 112 : index
    %get3A_256 = tpu.vector_load %arg9[%get3A_254, %get3A_255] {strides = array<i32>} : memref<4x128xi32, #tpu.memory_space<vmem>>, vector<1x16xi32>,
    %get3A_257 = vector.shape_cast %get3A_256 : vector<1x16xi32> to vector<16xi32>
    %jit3A_258 = arith.constant 0 : i32
    %jit3A_259 = arith.constant 1000000 : i32
    %max3A_260 = vector.broadcast %jit3A_258 : i32 to vector<16xi32>
    %max3A_261 = arith.maxsi %max3A_260, %get3A_257 : vector<16xi32>
    %min3A_262 = vector.broadcast %jit3A_259 : i32 to vector<16xi32>
    %min3A_263 = arith.minsi %min3A_262, %max3A_261 : vector<16xi32>
    %swap3A_264 = arith.constant 0 : i32
    %swap3A_265 = arith.index_cast %swap3A_264 : i32 to index
    %swap3A_266 = arith.constant 112 : index
    %swap3A_267 = tpu.vector_load %arg9[%swap3A_265, %swap3A_266] {strides = array<i32>} : memref<4x128xi32, #tpu.memory_space<vmem>>, vector<1x16xi32>,
    %swap3A_268 = vector.shape_cast %swap3A_267 : vector<1x16xi32> to vector<16xi32>
    %swap3A_269 = vector.shape_cast %min3A_263 : vector<16xi32> to vector<1x16xi32>
    tpu.vector_store %arg9[%swap3A_265, %swap3A_266], %swap3A_269 {strides = array<i32>} : memref<4x128xi32, #tpu.memory_space<vmem>>, vector<1x16xi32>,
    %get3A_270 = arith.constant 1 : i32
    %get3A_271 = arith.index_cast %get3A_270 : i32 to index
    %get3A_272 = arith.constant 0 : index
    %get3A_273 = tpu.vector_load %arg8[%get3A_271, %get3A_272] {strides = array<i32>} : memref<4x128xi32, #tpu.memory_space<vmem>>, vector<1x16xi32>,
    %get3A_274 = vector.shape_cast %get3A_273 : vector<1x16xi32> to vector<16xi32>
    %jit3A_275 = arith.constant 0 : i32
    %jit3A_276 = arith.constant 999999 : i32
    %max3A_277 = vector.broadcast %jit3A_275 : i32 to vector<16xi32>
    %max3A_278 = arith.maxsi %max3A_277, %get3A_274 : vector<16xi32>
    %min3A_279 = vector.broadcast %jit3A_276 : i32 to vector<16xi32>
    %min3A_280 = arith.minsi %min3A_279, %max3A_278 : vector<16xi32>
    %swap3A_281 = arith.constant 1 : i32
    %swap3A_282 = arith.index_cast %swap3A_281 : i32 to index
    %swap3A_283 = arith.constant 0 : index
    %swap3A_284 = tpu.vector_load %arg8[%swap3A_282, %swap3A_283] {strides = array<i32>} : memref<4x128xi32, #tpu.memory_space<vmem>>, vector<1x16xi32>,
    %swap3A_285 = vector.shape_cast %swap3A_284 : vector<1x16xi32> to vector<16xi32>
    %swap3A_286 = vector.shape_cast %min3A_280 : vector<16xi32> to vector<1x16xi32>
    tpu.vector_store %arg8[%swap3A_282, %swap3A_283], %swap3A_286 {strides = array<i32>} : memref<4x128xi32, #tpu.memory_space<vmem>>, vector<1x16xi32>,
    %get3A_287 = arith.constant 1 : i32
    %get3A_288 = arith.index_cast %get3A_287 : i32 to index
    %get3A_289 = arith.constant 0 : index
    %get3A_290 = tpu.vector_load %arg9[%get3A_288, %get3A_289] {strides = array<i32>} : memref<4x128xi32, #tpu.memory_space<vmem>>, vector<1x16xi32>,
    %get3A_291 = vector.shape_cast %get3A_290 : vector<1x16xi32> to vector<16xi32>
    %jit3A_292 = arith.constant 0 : i32
    %jit3A_293 = arith.constant 1000000 : i32
    %max3A_294 = vector.broadcast %jit3A_292 : i32 to vector<16xi32>
    %max3A_295 = arith.maxsi %max3A_294, %get3A_291 : vector<16xi32>
    %min3A_296 = vector.broadcast %jit3A_293 : i32 to vector<16xi32>
    %min3A_297 = arith.minsi %min3A_296, %max3A_295 : vector<16xi32>
    %swap3A_298 = arith.constant 1 : i32
    %swap3A_299 = arith.index_cast %swap3A_298 : i32 to index
    %swap3A_300 = arith.constant 0 : index
    %swap3A_301 = tpu.vector_load %arg9[%swap3A_299, %swap3A_300] {strides = array<i32>} : memref<4x128xi32, #tpu.memory_space<vmem>>, vector<1x16xi32>,
    %swap3A_302 = vector.shape_cast %swap3A_301 : vector<1x16xi32> to vector<16xi32>
    %swap3A_303 = vector.shape_cast %min3A_297 : vector<16xi32> to vector<1x16xi32>
    tpu.vector_store %arg9[%swap3A_299, %swap3A_300], %swap3A_303 {strides = array<i32>} : memref<4x128xi32, #tpu.memory_space<vmem>>, vector<1x16xi32>,
    %get3A_304 = arith.constant 1 : i32
    %get3A_305 = arith.index_cast %get3A_304 : i32 to index
    %get3A_306 = arith.constant 16 : index
    %get3A_307 = tpu.vector_load %arg8[%get3A_305, %get3A_306] {strides = array<i32>} : memref<4x128xi32, #tpu.memory_space<vmem>>, vector<1x16xi32>,
    %get3A_308 = vector.shape_cast %get3A_307 : vector<1x16xi32> to vector<16xi32>
    %jit3A_309 = arith.constant 0 : i32
    %jit3A_310 = arith.constant 999999 : i32
    %max3A_311 = vector.broadcast %jit3A_309 : i32 to vector<16xi32>
    %max3A_312 = arith.maxsi %max3A_311, %get3A_308 : vector<16xi32>
    %min3A_313 = vector.broadcast %jit3A_310 : i32 to vector<16xi32>
    %min3A_314 = arith.minsi %min3A_313, %max3A_312 : vector<16xi32>
    %swap3A_315 = arith.constant 1 : i32
    %swap3A_316 = arith.index_cast %swap3A_315 : i32 to index
    %swap3A_317 = arith.constant 16 : index
    %swap3A_318 = tpu.vector_load %arg8[%swap3A_316, %swap3A_317] {strides = array<i32>} : memref<4x128xi32, #tpu.memory_space<vmem>>, vector<1x16xi32>,
    %swap3A_319 = vector.shape_cast %swap3A_318 : vector<1x16xi32> to vector<16xi32>
    %swap3A_320 = vector.shape_cast %min3A_314 : vector<16xi32> to vector<1x16xi32>
    tpu.vector_store %arg8[%swap3A_316, %swap3A_317], %swap3A_320 {strides = array<i32>} : memref<4x128xi32, #tpu.memory_space<vmem>>, vector<1x16xi32>,
    %get3A_321 = arith.constant 1 : i32
    %get3A_322 = arith.index_cast %get3A_321 : i32 to index
    %get3A_323 = arith.constant 16 : index
    %get3A_324 = tpu.vector_load %arg9[%get3A_322, %get3A_323] {strides = array<i32>} : memref<4x128xi32, #tpu.memory_space<vmem>>, vector<1x16xi32>,
    %get3A_325 = vector.shape_cast %get3A_324 : vector<1x16xi32> to vector<16xi32>
    %jit3A_326 = arith.constant 0 : i32
    %jit3A_327 = arith.constant 1000000 : i32
    %max3A_328 = vector.broadcast %jit3A_326 : i32 to vector<16xi32>
    %max3A_329 = arith.maxsi %max3A_328, %get3A_325 : vector<16xi32>
    %min3A_330 = vector.broadcast %jit3A_327 : i32 to vector<16xi32>
    %min3A_331 = arith.minsi %min3A_330, %max3A_329 : vector<16xi32>
    %swap3A_332 = arith.constant 1 : i32
    %swap3A_333 = arith.index_cast %swap3A_332 : i32 to index
    %swap3A_334 = arith.constant 16 : index
    %swap3A_335 = tpu.vector_load %arg9[%swap3A_333, %swap3A_334] {strides = array<i32>} : memref<4x128xi32, #tpu.memory_space<vmem>>, vector<1x16xi32>,
    %swap3A_336 = vector.shape_cast %swap3A_335 : vector<1x16xi32> to vector<16xi32>
    %swap3A_337 = vector.shape_cast %min3A_331 : vector<16xi32> to vector<1x16xi32>
    tpu.vector_store %arg9[%swap3A_333, %swap3A_334], %swap3A_337 {strides = array<i32>} : memref<4x128xi32, #tpu.memory_space<vmem>>, vector<1x16xi32>,
    %get3A_338 = arith.constant 1 : i32
    %get3A_339 = arith.index_cast %get3A_338 : i32 to index
    %get3A_340 = arith.constant 32 : index
    %get3A_341 = tpu.vector_load %arg8[%get3A_339, %get3A_340] {strides = array<i32>} : memref<4x128xi32, #tpu.memory_space<vmem>>, vector<1x16xi32>,
    %get3A_342 = vector.shape_cast %get3A_341 : vector<1x16xi32> to vector<16xi32>
    %jit3A_343 = arith.constant 0 : i32
    %jit3A_344 = arith.constant 999999 : i32
    %max3A_345 = vector.broadcast %jit3A_343 : i32 to vector<16xi32>
    %max3A_346 = arith.maxsi %max3A_345, %get3A_342 : vector<16xi32>
    %min3A_347 = vector.broadcast %jit3A_344 : i32 to vector<16xi32>
    %min3A_348 = arith.minsi %min3A_347, %max3A_346 : vector<16xi32>
    %swap3A_349 = arith.constant 1 : i32
    %swap3A_350 = arith.index_cast %swap3A_349 : i32 to index
    %swap3A_351 = arith.constant 32 : index
    %swap3A_352 = tpu.vector_load %arg8[%swap3A_350, %swap3A_351] {strides = array<i32>} : memref<4x128xi32, #tpu.memory_space<vmem>>, vector<1x16xi32>,
    %swap3A_353 = vector.shape_cast %swap3A_352 : vector<1x16xi32> to vector<16xi32>
    %swap3A_354 = vector.shape_cast %min3A_348 : vector<16xi32> to vector<1x16xi32>
    tpu.vector_store %arg8[%swap3A_350, %swap3A_351], %swap3A_354 {strides = array<i32>} : memref<4x128xi32, #tpu.memory_space<vmem>>, vector<1x16xi32>,
    %get3A_355 = arith.constant 1 : i32
    %get3A_356 = arith.index_cast %get3A_355 : i32 to index
    %get3A_357 = arith.constant 32 : index
    %get3A_358 = tpu.vector_load %arg9[%get3A_356, %get3A_357] {strides = array<i32>} : memref<4x128xi32, #tpu.memory_space<vmem>>, vector<1x16xi32>,
    %get3A_359 = vector.shape_cast %get3A_358 : vector<1x16xi32> to vector<16xi32>
    %jit3A_360 = arith.constant 0 : i32
    %jit3A_361 = arith.constant 1000000 : i32
    %max3A_362 = vector.broadcast %jit3A_360 : i32 to vector<16xi32>
    %max3A_363 = arith.maxsi %max3A_362, %get3A_359 : vector<16xi32>
    %min3A_364 = vector.broadcast %jit3A_361 : i32 to vector<16xi32>
    %min3A_365 = arith.minsi %min3A_364, %max3A_363 : vector<16xi32>
    %swap3A_366 = arith.constant 1 : i32
    %swap3A_367 = arith.index_cast %swap3A_366 : i32 to index
    %swap3A_368 = arith.constant 32 : index
    %swap3A_369 = tpu.vector_load %arg9[%swap3A_367, %swap3A_368] {strides = array<i32>} : memref<4x128xi32, #tpu.memory_space<vmem>>, vector<1x16xi32>,
    %swap3A_370 = vector.shape_cast %swap3A_369 : vector<1x16xi32> to vector<16xi32>
    %swap3A_371 = vector.shape_cast %min3A_365 : vector<16xi32> to vector<1x16xi32>
    tpu.vector_store %arg9[%swap3A_367, %swap3A_368], %swap3A_371 {strides = array<i32>} : memref<4x128xi32, #tpu.memory_space<vmem>>, vector<1x16xi32>,
    %get3A_372 = arith.constant 1 : i32
    %get3A_373 = arith.index_cast %get3A_372 : i32 to index
    %get3A_374 = arith.constant 48 : index
    %get3A_375 = tpu.vector_load %arg8[%get3A_373, %get3A_374] {strides = array<i32>} : memref<4x128xi32, #tpu.memory_space<vmem>>, vector<1x16xi32>,
    %get3A_376 = vector.shape_cast %get3A_375 : vector<1x16xi32> to vector<16xi32>
    %jit3A_377 = arith.constant 0 : i32
    %jit3A_378 = arith.constant 999999 : i32
    %max3A_379 = vector.broadcast %jit3A_377 : i32 to vector<16xi32>
    %max3A_380 = arith.maxsi %max3A_379, %get3A_376 : vector<16xi32>
    %min3A_381 = vector.broadcast %jit3A_378 : i32 to vector<16xi32>
    %min3A_382 = arith.minsi %min3A_381, %max3A_380 : vector<16xi32>
    %swap3A_383 = arith.constant 1 : i32
    %swap3A_384 = arith.index_cast %swap3A_383 : i32 to index
    %swap3A_385 = arith.constant 48 : index
    %swap3A_386 = tpu.vector_load %arg8[%swap3A_384, %swap3A_385] {strides = array<i32>} : memref<4x128xi32, #tpu.memory_space<vmem>>, vector<1x16xi32>,
    %swap3A_387 = vector.shape_cast %swap3A_386 : vector<1x16xi32> to vector<16xi32>
    %swap3A_388 = vector.shape_cast %min3A_382 : vector<16xi32> to vector<1x16xi32>
    tpu.vector_store %arg8[%swap3A_384, %swap3A_385], %swap3A_388 {strides = array<i32>} : memref<4x128xi32, #tpu.memory_space<vmem>>, vector<1x16xi32>,
    %get3A_389 = arith.constant 1 : i32
    %get3A_390 = arith.index_cast %get3A_389 : i32 to index
    %get3A_391 = arith.constant 48 : index
    %get3A_392 = tpu.vector_load %arg9[%get3A_390, %get3A_391] {strides = array<i32>} : memref<4x128xi32, #tpu.memory_space<vmem>>, vector<1x16xi32>,
    %get3A_393 = vector.shape_cast %get3A_392 : vector<1x16xi32> to vector<16xi32>
    %jit3A_394 = arith.constant 0 : i32
    %jit3A_395 = arith.constant 1000000 : i32
    %max3A_396 = vector.broadcast %jit3A_394 : i32 to vector<16xi32>
    %max3A_397 = arith.maxsi %max3A_396, %get3A_393 : vector<16xi32>
    %min3A_398 = vector.broadcast %jit3A_395 : i32 to vector<16xi32>
    %min3A_399 = arith.minsi %min3A_398, %max3A_397 : vector<16xi32>
    %swap3A_400 = arith.constant 1 : i32
    %swap3A_401 = arith.index_cast %swap3A_400 : i32 to index
    %swap3A_402 = arith.constant 48 : index
    %swap3A_403 = tpu.vector_load %arg9[%swap3A_401, %swap3A_402] {strides = array<i32>} : memref<4x128xi32, #tpu.memory_space<vmem>>, vector<1x16xi32>,
    %swap3A_404 = vector.shape_cast %swap3A_403 : vector<1x16xi32> to vector<16xi32>
    %swap3A_405 = vector.shape_cast %min3A_399 : vector<16xi32> to vector<1x16xi32>
    tpu.vector_store %arg9[%swap3A_401, %swap3A_402], %swap3A_405 {strides = array<i32>} : memref<4x128xi32, #tpu.memory_space<vmem>>, vector<1x16xi32>,
    %get3A_406 = arith.constant 1 : i32
    %get3A_407 = arith.index_cast %get3A_406 : i32 to index
    %get3A_408 = arith.constant 64 : index
    %get3A_409 = tpu.vector_load %arg8[%get3A_407, %get3A_408] {strides = array<i32>} : memref<4x128xi32, #tpu.memory_space<vmem>>, vector<1x16xi32>,
    %get3A_410 = vector.shape_cast %get3A_409 : vector<1x16xi32> to vector<16xi32>
    %jit3A_411 = arith.constant 0 : i32
    %jit3A_412 = arith.constant 999999 : i32
    %max3A_413 = vector.broadcast %jit3A_411 : i32 to vector<16xi32>
    %max3A_414 = arith.maxsi %max3A_413, %get3A_410 : vector<16xi32>
    %min3A_415 = vector.broadcast %jit3A_412 : i32 to vector<16xi32>
    %min3A_416 = arith.minsi %min3A_415, %max3A_414 : vector<16xi32>
    %swap3A_417 = arith.constant 1 : i32
    %swap3A_418 = arith.index_cast %swap3A_417 : i32 to index
    %swap3A_419 = arith.constant 64 : index
    %swap3A_420 = tpu.vector_load %arg8[%swap3A_418, %swap3A_419] {strides = array<i32>} : memref<4x128xi32, #tpu.memory_space<vmem>>, vector<1x16xi32>,
    %swap3A_421 = vector.shape_cast %swap3A_420 : vector<1x16xi32> to vector<16xi32>
    %swap3A_422 = vector.shape_cast %min3A_416 : vector<16xi32> to vector<1x16xi32>
    tpu.vector_store %arg8[%swap3A_418, %swap3A_419], %swap3A_422 {strides = array<i32>} : memref<4x128xi32, #tpu.memory_space<vmem>>, vector<1x16xi32>,
    %get3A_423 = arith.constant 1 : i32
    %get3A_424 = arith.index_cast %get3A_423 : i32 to index
    %get3A_425 = arith.constant 64 : index
    %get3A_426 = tpu.vector_load %arg9[%get3A_424, %get3A_425] {strides = array<i32>} : memref<4x128xi32, #tpu.memory_space<vmem>>, vector<1x16xi32>,
    %get3A_427 = vector.shape_cast %get3A_426 : vector<1x16xi32> to vector<16xi32>
    %jit3A_428 = arith.constant 0 : i32
    %jit3A_429 = arith.constant 1000000 : i32
    %max3A_430 = vector.broadcast %jit3A_428 : i32 to vector<16xi32>
    %max3A_431 = arith.maxsi %max3A_430, %get3A_427 : vector<16xi32>
    %min3A_432 = vector.broadcast %jit3A_429 : i32 to vector<16xi32>
    %min3A_433 = arith.minsi %min3A_432, %max3A_431 : vector<16xi32>
    %swap3A_434 = arith.constant 1 : i32
    %swap3A_435 = arith.index_cast %swap3A_434 : i32 to index
    %swap3A_436 = arith.constant 64 : index
    %swap3A_437 = tpu.vector_load %arg9[%swap3A_435, %swap3A_436] {strides = array<i32>} : memref<4x128xi32, #tpu.memory_space<vmem>>, vector<1x16xi32>,
    %swap3A_438 = vector.shape_cast %swap3A_437 : vector<1x16xi32> to vector<16xi32>
    %swap3A_439 = vector.shape_cast %min3A_433 : vector<16xi32> to vector<1x16xi32>
    tpu.vector_store %arg9[%swap3A_435, %swap3A_436], %swap3A_439 {strides = array<i32>} : memref<4x128xi32, #tpu.memory_space<vmem>>, vector<1x16xi32>,
    %get3A_440 = arith.constant 1 : i32
    %get3A_441 = arith.index_cast %get3A_440 : i32 to index
    %get3A_442 = arith.constant 80 : index
    %get3A_443 = tpu.vector_load %arg8[%get3A_441, %get3A_442] {strides = array<i32>} : memref<4x128xi32, #tpu.memory_space<vmem>>, vector<1x16xi32>,
    %get3A_444 = vector.shape_cast %get3A_443 : vector<1x16xi32> to vector<16xi32>
    %jit3A_445 = arith.constant 0 : i32
    %jit3A_446 = arith.constant 999999 : i32
    %max3A_447 = vector.broadcast %jit3A_445 : i32 to vector<16xi32>
    %max3A_448 = arith.maxsi %max3A_447, %get3A_444 : vector<16xi32>
    %min3A_449 = vector.broadcast %jit3A_446 : i32 to vector<16xi32>
    %min3A_450 = arith.minsi %min3A_449, %max3A_448 : vector<16xi32>
    %swap3A_451 = arith.constant 1 : i32
    %swap3A_452 = arith.index_cast %swap3A_451 : i32 to index
    %swap3A_453 = arith.constant 80 : index
    %swap3A_454 = tpu.vector_load %arg8[%swap3A_452, %swap3A_453] {strides = array<i32>} : memref<4x128xi32, #tpu.memory_space<vmem>>, vector<1x16xi32>,
    %swap3A_455 = vector.shape_cast %swap3A_454 : vector<1x16xi32> to vector<16xi32>
    %swap3A_456 = vector.shape_cast %min3A_450 : vector<16xi32> to vector<1x16xi32>
    tpu.vector_store %arg8[%swap3A_452, %swap3A_453], %swap3A_456 {strides = array<i32>} : memref<4x128xi32, #tpu.memory_space<vmem>>, vector<1x16xi32>,
    %get3A_457 = arith.constant 1 : i32
    %get3A_458 = arith.index_cast %get3A_457 : i32 to index
    %get3A_459 = arith.constant 80 : index
    %get3A_460 = tpu.vector_load %arg9[%get3A_458, %get3A_459] {strides = array<i32>} : memref<4x128xi32, #tpu.memory_space<vmem>>, vector<1x16xi32>,
    %get3A_461 = vector.shape_cast %get3A_460 : vector<1x16xi32> to vector<16xi32>
    %jit3A_462 = arith.constant 0 : i32
    %jit3A_463 = arith.constant 1000000 : i32
    %max3A_464 = vector.broadcast %jit3A_462 : i32 to vector<16xi32>
    %max3A_465 = arith.maxsi %max3A_464, %get3A_461 : vector<16xi32>
    %min3A_466 = vector.broadcast %jit3A_463 : i32 to vector<16xi32>
    %min3A_467 = arith.minsi %min3A_466, %max3A_465 : vector<16xi32>
    %swap3A_468 = arith.constant 1 : i32
    %swap3A_469 = arith.index_cast %swap3A_468 : i32 to index
    %swap3A_470 = arith.constant 80 : index
    %swap3A_471 = tpu.vector_load %arg9[%swap3A_469, %swap3A_470] {strides = array<i32>} : memref<4x128xi32, #tpu.memory_space<vmem>>, vector<1x16xi32>,
    %swap3A_472 = vector.shape_cast %swap3A_471 : vector<1x16xi32> to vector<16xi32>
    %swap3A_473 = vector.shape_cast %min3A_467 : vector<16xi32> to vector<1x16xi32>
    tpu.vector_store %arg9[%swap3A_469, %swap3A_470], %swap3A_473 {strides = array<i32>} : memref<4x128xi32, #tpu.memory_space<vmem>>, vector<1x16xi32>,
    %get3A_474 = arith.constant 1 : i32
    %get3A_475 = arith.index_cast %get3A_474 : i32 to index
    %get3A_476 = arith.constant 96 : index
    %get3A_477 = tpu.vector_load %arg8[%get3A_475, %get3A_476] {strides = array<i32>} : memref<4x128xi32, #tpu.memory_space<vmem>>, vector<1x16xi32>,
    %get3A_478 = vector.shape_cast %get3A_477 : vector<1x16xi32> to vector<16xi32>
    %jit3A_479 = arith.constant 0 : i32
    %jit3A_480 = arith.constant 999999 : i32
    %max3A_481 = vector.broadcast %jit3A_479 : i32 to vector<16xi32>
    %max3A_482 = arith.maxsi %max3A_481, %get3A_478 : vector<16xi32>
    %min3A_483 = vector.broadcast %jit3A_480 : i32 to vector<16xi32>
    %min3A_484 = arith.minsi %min3A_483, %max3A_482 : vector<16xi32>
    %swap3A_485 = arith.constant 1 : i32
    %swap3A_486 = arith.index_cast %swap3A_485 : i32 to index
    %swap3A_487 = arith.constant 96 : index
    %swap3A_488 = tpu.vector_load %arg8[%swap3A_486, %swap3A_487] {strides = array<i32>} : memref<4x128xi32, #tpu.memory_space<vmem>>, vector<1x16xi32>,
    %swap3A_489 = vector.shape_cast %swap3A_488 : vector<1x16xi32> to vector<16xi32>
    %swap3A_490 = vector.shape_cast %min3A_484 : vector<16xi32> to vector<1x16xi32>
    tpu.vector_store %arg8[%swap3A_486, %swap3A_487], %swap3A_490 {strides = array<i32>} : memref<4x128xi32, #tpu.memory_space<vmem>>, vector<1x16xi32>,
    %get3A_491 = arith.constant 1 : i32
    %get3A_492 = arith.index_cast %get3A_491 : i32 to index
    %get3A_493 = arith.constant 96 : index
    %get3A_494 = tpu.vector_load %arg9[%get3A_492, %get3A_493] {strides = array<i32>} : memref<4x128xi32, #tpu.memory_space<vmem>>, vector<1x16xi32>,
    %get3A_495 = vector.shape_cast %get3A_494 : vector<1x16xi32> to vector<16xi32>
    %jit3A_496 = arith.constant 0 : i32
    %jit3A_497 = arith.constant 1000000 : i32
    %max3A_498 = vector.broadcast %jit3A_496 : i32 to vector<16xi32>
    %max3A_499 = arith.maxsi %max3A_498, %get3A_495 : vector<16xi32>
    %min3A_500 = vector.broadcast %jit3A_497 : i32 to vector<16xi32>
    %min3A_501 = arith.minsi %min3A_500, %max3A_499 : vector<16xi32>
    %swap3A_502 = arith.constant 1 : i32
    %swap3A_503 = arith.index_cast %swap3A_502 : i32 to index
    %swap3A_504 = arith.constant 96 : index
    %swap3A_505 = tpu.vector_load %arg9[%swap3A_503, %swap3A_504] {strides = array<i32>} : memref<4x128xi32, #tpu.memory_space<vmem>>, vector<1x16xi32>,
    %swap3A_506 = vector.shape_cast %swap3A_505 : vector<1x16xi32> to vector<16xi32>
    %swap3A_507 = vector.shape_cast %min3A_501 : vector<16xi32> to vector<1x16xi32>
    tpu.vector_store %arg9[%swap3A_503, %swap3A_504], %swap3A_507 {strides = array<i32>} : memref<4x128xi32, #tpu.memory_space<vmem>>, vector<1x16xi32>,
    %get3A_508 = arith.constant 1 : i32
    %get3A_509 = arith.index_cast %get3A_508 : i32 to index
    %get3A_510 = arith.constant 112 : index
    %get3A_511 = tpu.vector_load %arg8[%get3A_509, %get3A_510] {strides = array<i32>} : memref<4x128xi32, #tpu.memory_space<vmem>>, vector<1x16xi32>,
    %get3A_512 = vector.shape_cast %get3A_511 : vector<1x16xi32> to vector<16xi32>
    %jit3A_513 = arith.constant 0 : i32
    %jit3A_514 = arith.constant 999999 : i32
    %max3A_515 = vector.broadcast %jit3A_513 : i32 to vector<16xi32>
    %max3A_516 = arith.maxsi %max3A_515, %get3A_512 : vector<16xi32>
    %min3A_517 = vector.broadcast %jit3A_514 : i32 to vector<16xi32>
    %min3A_518 = arith.minsi %min3A_517, %max3A_516 : vector<16xi32>
    %swap3A_519 = arith.constant 1 : i32
    %swap3A_520 = arith.index_cast %swap3A_519 : i32 to index
    %swap3A_521 = arith.constant 112 : index
    %swap3A_522 = tpu.vector_load %arg8[%swap3A_520, %swap3A_521] {strides = array<i32>} : memref<4x128xi32, #tpu.memory_space<vmem>>, vector<1x16xi32>,
    %swap3A_523 = vector.shape_cast %swap3A_522 : vector<1x16xi32> to vector<16xi32>
    %swap3A_524 = vector.shape_cast %min3A_518 : vector<16xi32> to vector<1x16xi32>
    tpu.vector_store %arg8[%swap3A_520, %swap3A_521], %swap3A_524 {strides = array<i32>} : memref<4x128xi32, #tpu.memory_space<vmem>>, vector<1x16xi32>,
    %get3A_525 = arith.constant 1 : i32
    %get3A_526 = arith.index_cast %get3A_525 : i32 to index
    %get3A_527 = arith.constant 112 : index
    %get3A_528 = tpu.vector_load %arg9[%get3A_526, %get3A_527] {strides = array<i32>} : memref<4x128xi32, #tpu.memory_space<vmem>>, vector<1x16xi32>,
    %get3A_529 = vector.shape_cast %get3A_528 : vector<1x16xi32> to vector<16xi32>
    %jit3A_530 = arith.constant 0 : i32
    %jit3A_531 = arith.constant 1000000 : i32
    %max3A_532 = vector.broadcast %jit3A_530 : i32 to vector<16xi32>
    %max3A_533 = arith.maxsi %max3A_532, %get3A_529 : vector<16xi32>
    %min3A_534 = vector.broadcast %jit3A_531 : i32 to vector<16xi32>
    %min3A_535 = arith.minsi %min3A_534, %max3A_533 : vector<16xi32>
    %swap3A_536 = arith.constant 1 : i32
    %swap3A_537 = arith.index_cast %swap3A_536 : i32 to index
    %swap3A_538 = arith.constant 112 : index
    %swap3A_539 = tpu.vector_load %arg9[%swap3A_537, %swap3A_538] {strides = array<i32>} : memref<4x128xi32, #tpu.memory_space<vmem>>, vector<1x16xi32>,
    %swap3A_540 = vector.shape_cast %swap3A_539 : vector<1x16xi32> to vector<16xi32>
    %swap3A_541 = vector.shape_cast %min3A_535 : vector<16xi32> to vector<1x16xi32>
    tpu.vector_store %arg9[%swap3A_537, %swap3A_538], %swap3A_541 {strides = array<i32>} : memref<4x128xi32, #tpu.memory_space<vmem>>, vector<1x16xi32>,
    %get3A_542 = arith.constant 2 : i32
    %get3A_543 = arith.index_cast %get3A_542 : i32 to index
    %get3A_544 = arith.constant 0 : index
    %get3A_545 = tpu.vector_load %arg8[%get3A_543, %get3A_544] {strides = array<i32>} : memref<4x128xi32, #tpu.memory_space<vmem>>, vector<1x16xi32>,
    %get3A_546 = vector.shape_cast %get3A_545 : vector<1x16xi32> to vector<16xi32>
    %jit3A_547 = arith.constant 0 : i32
    %jit3A_548 = arith.constant 999999 : i32
    %max3A_549 = vector.broadcast %jit3A_547 : i32 to vector<16xi32>
    %max3A_550 = arith.maxsi %max3A_549, %get3A_546 : vector<16xi32>
    %min3A_551 = vector.broadcast %jit3A_548 : i32 to vector<16xi32>
    %min3A_552 = arith.minsi %min3A_551, %max3A_550 : vector<16xi32>
    %swap3A_553 = arith.constant 2 : i32
    %swap3A_554 = arith.index_cast %swap3A_553 : i32 to index
    %swap3A_555 = arith.constant 0 : index
    %swap3A_556 = tpu.vector_load %arg8[%swap3A_554, %swap3A_555] {strides = array<i32>} : memref<4x128xi32, #tpu.memory_space<vmem>>, vector<1x16xi32>,
    %swap3A_557 = vector.shape_cast %swap3A_556 : vector<1x16xi32> to vector<16xi32>
    %swap3A_558 = vector.shape_cast %min3A_552 : vector<16xi32> to vector<1x16xi32>
    tpu.vector_store %arg8[%swap3A_554, %swap3A_555], %swap3A_558 {strides = array<i32>} : memref<4x128xi32, #tpu.memory_space<vmem>>, vector<1x16xi32>,
    %get3A_559 = arith.constant 2 : i32
    %get3A_560 = arith.index_cast %get3A_559 : i32 to index
    %get3A_561 = arith.constant 0 : index
    %get3A_562 = tpu.vector_load %arg9[%get3A_560, %get3A_561] {strides = array<i32>} : memref<4x128xi32, #tpu.memory_space<vmem>>, vector<1x16xi32>,
    %get3A_563 = vector.shape_cast %get3A_562 : vector<1x16xi32> to vector<16xi32>
    %jit3A_564 = arith.constant 0 : i32
    %jit3A_565 = arith.constant 1000000 : i32
    %max3A_566 = vector.broadcast %jit3A_564 : i32 to vector<16xi32>
    %max3A_567 = arith.maxsi %max3A_566, %get3A_563 : vector<16xi32>
    %min3A_568 = vector.broadcast %jit3A_565 : i32 to vector<16xi32>
    %min3A_569 = arith.minsi %min3A_568, %max3A_567 : vector<16xi32>
    %swap3A_570 = arith.constant 2 : i32
    %swap3A_571 = arith.index_cast %swap3A_570 : i32 to index
    %swap3A_572 = arith.constant 0 : index
    %swap3A_573 = tpu.vector_load %arg9[%swap3A_571, %swap3A_572] {strides = array<i32>} : memref<4x128xi32, #tpu.memory_space<vmem>>, vector<1x16xi32>,
    %swap3A_574 = vector.shape_cast %swap3A_573 : vector<1x16xi32> to vector<16xi32>
    %swap3A_575 = vector.shape_cast %min3A_569 : vector<16xi32> to vector<1x16xi32>
    tpu.vector_store %arg9[%swap3A_571, %swap3A_572], %swap3A_575 {strides = array<i32>} : memref<4x128xi32, #tpu.memory_space<vmem>>, vector<1x16xi32>,
    %get3A_576 = arith.constant 2 : i32
    %get3A_577 = arith.index_cast %get3A_576 : i32 to index
    %get3A_578 = arith.constant 16 : index
    %get3A_579 = tpu.vector_load %arg8[%get3A_577, %get3A_578] {strides = array<i32>} : memref<4x128xi32, #tpu.memory_space<vmem>>, vector<1x16xi32>,
    %get3A_580 = vector.shape_cast %get3A_579 : vector<1x16xi32> to vector<16xi32>
    %jit3A_581 = arith.constant 0 : i32
    %jit3A_582 = arith.constant 999999 : i32
    %max3A_583 = vector.broadcast %jit3A_581 : i32 to vector<16xi32>
    %max3A_584 = arith.maxsi %max3A_583, %get3A_580 : vector<16xi32>
    %min3A_585 = vector.broadcast %jit3A_582 : i32 to vector<16xi32>
    %min3A_586 = arith.minsi %min3A_585, %max3A_584 : vector<16xi32>
    %swap3A_587 = arith.constant 2 : i32
    %swap3A_588 = arith.index_cast %swap3A_587 : i32 to index
    %swap3A_589 = arith.constant 16 : index
    %swap3A_590 = tpu.vector_load %arg8[%swap3A_588, %swap3A_589] {strides = array<i32>} : memref<4x128xi32, #tpu.memory_space<vmem>>, vector<1x16xi32>,
    %swap3A_591 = vector.shape_cast %swap3A_590 : vector<1x16xi32> to vector<16xi32>
    %swap3A_592 = vector.shape_cast %min3A_586 : vector<16xi32> to vector<1x16xi32>
    tpu.vector_store %arg8[%swap3A_588, %swap3A_589], %swap3A_592 {strides = array<i32>} : memref<4x128xi32, #tpu.memory_space<vmem>>, vector<1x16xi32>,
    %get3A_593 = arith.constant 2 : i32
    %get3A_594 = arith.index_cast %get3A_593 : i32 to index
    %get3A_595 = arith.constant 16 : index
    %get3A_596 = tpu.vector_load %arg9[%get3A_594, %get3A_595] {strides = array<i32>} : memref<4x128xi32, #tpu.memory_space<vmem>>, vector<1x16xi32>,
    %get3A_597 = vector.shape_cast %get3A_596 : vector<1x16xi32> to vector<16xi32>
    %jit3A_598 = arith.constant 0 : i32
    %jit3A_599 = arith.constant 1000000 : i32
    %max3A_600 = vector.broadcast %jit3A_598 : i32 to vector<16xi32>
    %max3A_601 = arith.maxsi %max3A_600, %get3A_597 : vector<16xi32>
    %min3A_602 = vector.broadcast %jit3A_599 : i32 to vector<16xi32>
    %min3A_603 = arith.minsi %min3A_602, %max3A_601 : vector<16xi32>
    %swap3A_604 = arith.constant 2 : i32
    %swap3A_605 = arith.index_cast %swap3A_604 : i32 to index
    %swap3A_606 = arith.constant 16 : index
    %swap3A_607 = tpu.vector_load %arg9[%swap3A_605, %swap3A_606] {strides = array<i32>} : memref<4x128xi32, #tpu.memory_space<vmem>>, vector<1x16xi32>,
    %swap3A_608 = vector.shape_cast %swap3A_607 : vector<1x16xi32> to vector<16xi32>
    %swap3A_609 = vector.shape_cast %min3A_603 : vector<16xi32> to vector<1x16xi32>
    tpu.vector_store %arg9[%swap3A_605, %swap3A_606], %swap3A_609 {strides = array<i32>} : memref<4x128xi32, #tpu.memory_space<vmem>>, vector<1x16xi32>,
    %get3A_610 = arith.constant 2 : i32
    %get3A_611 = arith.index_cast %get3A_610 : i32 to index
    %get3A_612 = arith.constant 32 : index
    %get3A_613 = tpu.vector_load %arg8[%get3A_611, %get3A_612] {strides = array<i32>} : memref<4x128xi32, #tpu.memory_space<vmem>>, vector<1x16xi32>,
    %get3A_614 = vector.shape_cast %get3A_613 : vector<1x16xi32> to vector<16xi32>
    %jit3A_615 = arith.constant 0 : i32
    %jit3A_616 = arith.constant 999999 : i32
    %max3A_617 = vector.broadcast %jit3A_615 : i32 to vector<16xi32>
    %max3A_618 = arith.maxsi %max3A_617, %get3A_614 : vector<16xi32>
    %min3A_619 = vector.broadcast %jit3A_616 : i32 to vector<16xi32>
    %min3A_620 = arith.minsi %min3A_619, %max3A_618 : vector<16xi32>
    %swap3A_621 = arith.constant 2 : i32
    %swap3A_622 = arith.index_cast %swap3A_621 : i32 to index
    %swap3A_623 = arith.constant 32 : index
    %swap3A_624 = tpu.vector_load %arg8[%swap3A_622, %swap3A_623] {strides = array<i32>} : memref<4x128xi32, #tpu.memory_space<vmem>>, vector<1x16xi32>,
    %swap3A_625 = vector.shape_cast %swap3A_624 : vector<1x16xi32> to vector<16xi32>
    %swap3A_626 = vector.shape_cast %min3A_620 : vector<16xi32> to vector<1x16xi32>
    tpu.vector_store %arg8[%swap3A_622, %swap3A_623], %swap3A_626 {strides = array<i32>} : memref<4x128xi32, #tpu.memory_space<vmem>>, vector<1x16xi32>,
    %get3A_627 = arith.constant 2 : i32
    %get3A_628 = arith.index_cast %get3A_627 : i32 to index
    %get3A_629 = arith.constant 32 : index
    %get3A_630 = tpu.vector_load %arg9[%get3A_628, %get3A_629] {strides = array<i32>} : memref<4x128xi32, #tpu.memory_space<vmem>>, vector<1x16xi32>,
    %get3A_631 = vector.shape_cast %get3A_630 : vector<1x16xi32> to vector<16xi32>
    %jit3A_632 = arith.constant 0 : i32
    %jit3A_633 = arith.constant 1000000 : i32
    %max3A_634 = vector.broadcast %jit3A_632 : i32 to vector<16xi32>
    %max3A_635 = arith.maxsi %max3A_634, %get3A_631 : vector<16xi32>
    %min3A_636 = vector.broadcast %jit3A_633 : i32 to vector<16xi32>
    %min3A_637 = arith.minsi %min3A_636, %max3A_635 : vector<16xi32>
    %swap3A_638 = arith.constant 2 : i32
    %swap3A_639 = arith.index_cast %swap3A_638 : i32 to index
    %swap3A_640 = arith.constant 32 : index
    %swap3A_641 = tpu.vector_load %arg9[%swap3A_639, %swap3A_640] {strides = array<i32>} : memref<4x128xi32, #tpu.memory_space<vmem>>, vector<1x16xi32>,
    %swap3A_642 = vector.shape_cast %swap3A_641 : vector<1x16xi32> to vector<16xi32>
    %swap3A_643 = vector.shape_cast %min3A_637 : vector<16xi32> to vector<1x16xi32>
    tpu.vector_store %arg9[%swap3A_639, %swap3A_640], %swap3A_643 {strides = array<i32>} : memref<4x128xi32, #tpu.memory_space<vmem>>, vector<1x16xi32>,
    %get3A_644 = arith.constant 2 : i32
    %get3A_645 = arith.index_cast %get3A_644 : i32 to index
    %get3A_646 = arith.constant 48 : index
    %get3A_647 = tpu.vector_load %arg8[%get3A_645, %get3A_646] {strides = array<i32>} : memref<4x128xi32, #tpu.memory_space<vmem>>, vector<1x16xi32>,
    %get3A_648 = vector.shape_cast %get3A_647 : vector<1x16xi32> to vector<16xi32>
    %jit3A_649 = arith.constant 0 : i32
    %jit3A_650 = arith.constant 999999 : i32
    %max3A_651 = vector.broadcast %jit3A_649 : i32 to vector<16xi32>
    %max3A_652 = arith.maxsi %max3A_651, %get3A_648 : vector<16xi32>
    %min3A_653 = vector.broadcast %jit3A_650 : i32 to vector<16xi32>
    %min3A_654 = arith.minsi %min3A_653, %max3A_652 : vector<16xi32>
    %swap3A_655 = arith.constant 2 : i32
    %swap3A_656 = arith.index_cast %swap3A_655 : i32 to index
    %swap3A_657 = arith.constant 48 : index
    %swap3A_658 = tpu.vector_load %arg8[%swap3A_656, %swap3A_657] {strides = array<i32>} : memref<4x128xi32, #tpu.memory_space<vmem>>, vector<1x16xi32>,
    %swap3A_659 = vector.shape_cast %swap3A_658 : vector<1x16xi32> to vector<16xi32>
    %swap3A_660 = vector.shape_cast %min3A_654 : vector<16xi32> to vector<1x16xi32>
    tpu.vector_store %arg8[%swap3A_656, %swap3A_657], %swap3A_660 {strides = array<i32>} : memref<4x128xi32, #tpu.memory_space<vmem>>, vector<1x16xi32>,
    %get3A_661 = arith.constant 2 : i32
    %get3A_662 = arith.index_cast %get3A_661 : i32 to index
    %get3A_663 = arith.constant 48 : index
    %get3A_664 = tpu.vector_load %arg9[%get3A_662, %get3A_663] {strides = array<i32>} : memref<4x128xi32, #tpu.memory_space<vmem>>, vector<1x16xi32>,
    %get3A_665 = vector.shape_cast %get3A_664 : vector<1x16xi32> to vector<16xi32>
    %jit3A_666 = arith.constant 0 : i32
    %jit3A_667 = arith.constant 1000000 : i32
    %max3A_668 = vector.broadcast %jit3A_666 : i32 to vector<16xi32>
    %max3A_669 = arith.maxsi %max3A_668, %get3A_665 : vector<16xi32>
    %min3A_670 = vector.broadcast %jit3A_667 : i32 to vector<16xi32>
    %min3A_671 = arith.minsi %min3A_670, %max3A_669 : vector<16xi32>
    %swap3A_672 = arith.constant 2 : i32
    %swap3A_673 = arith.index_cast %swap3A_672 : i32 to index
    %swap3A_674 = arith.constant 48 : index
    %swap3A_675 = tpu.vector_load %arg9[%swap3A_673, %swap3A_674] {strides = array<i32>} : memref<4x128xi32, #tpu.memory_space<vmem>>, vector<1x16xi32>,
    %swap3A_676 = vector.shape_cast %swap3A_675 : vector<1x16xi32> to vector<16xi32>
    %swap3A_677 = vector.shape_cast %min3A_671 : vector<16xi32> to vector<1x16xi32>
    tpu.vector_store %arg9[%swap3A_673, %swap3A_674], %swap3A_677 {strides = array<i32>} : memref<4x128xi32, #tpu.memory_space<vmem>>, vector<1x16xi32>,
    %get3A_678 = arith.constant 2 : i32
    %get3A_679 = arith.index_cast %get3A_678 : i32 to index
    %get3A_680 = arith.constant 64 : index
    %get3A_681 = tpu.vector_load %arg8[%get3A_679, %get3A_680] {strides = array<i32>} : memref<4x128xi32, #tpu.memory_space<vmem>>, vector<1x16xi32>,
    %get3A_682 = vector.shape_cast %get3A_681 : vector<1x16xi32> to vector<16xi32>
    %jit3A_683 = arith.constant 0 : i32
    %jit3A_684 = arith.constant 999999 : i32
    %max3A_685 = vector.broadcast %jit3A_683 : i32 to vector<16xi32>
    %max3A_686 = arith.maxsi %max3A_685, %get3A_682 : vector<16xi32>
    %min3A_687 = vector.broadcast %jit3A_684 : i32 to vector<16xi32>
    %min3A_688 = arith.minsi %min3A_687, %max3A_686 : vector<16xi32>
    %swap3A_689 = arith.constant 2 : i32
    %swap3A_690 = arith.index_cast %swap3A_689 : i32 to index
    %swap3A_691 = arith.constant 64 : index
    %swap3A_692 = tpu.vector_load %arg8[%swap3A_690, %swap3A_691] {strides = array<i32>} : memref<4x128xi32, #tpu.memory_space<vmem>>, vector<1x16xi32>,
    %swap3A_693 = vector.shape_cast %swap3A_692 : vector<1x16xi32> to vector<16xi32>
    %swap3A_694 = vector.shape_cast %min3A_688 : vector<16xi32> to vector<1x16xi32>
    tpu.vector_store %arg8[%swap3A_690, %swap3A_691], %swap3A_694 {strides = array<i32>} : memref<4x128xi32, #tpu.memory_space<vmem>>, vector<1x16xi32>,
    %get3A_695 = arith.constant 2 : i32
    %get3A_696 = arith.index_cast %get3A_695 : i32 to index
    %get3A_697 = arith.constant 64 : index
    %get3A_698 = tpu.vector_load %arg9[%get3A_696, %get3A_697] {strides = array<i32>} : memref<4x128xi32, #tpu.memory_space<vmem>>, vector<1x16xi32>,
    %get3A_699 = vector.shape_cast %get3A_698 : vector<1x16xi32> to vector<16xi32>
    %jit3A_700 = arith.constant 0 : i32
    %jit3A_701 = arith.constant 1000000 : i32
    %max3A_702 = vector.broadcast %jit3A_700 : i32 to vector<16xi32>
    %max3A_703 = arith.maxsi %max3A_702, %get3A_699 : vector<16xi32>
    %min3A_704 = vector.broadcast %jit3A_701 : i32 to vector<16xi32>
    %min3A_705 = arith.minsi %min3A_704, %max3A_703 : vector<16xi32>
    %swap3A_706 = arith.constant 2 : i32
    %swap3A_707 = arith.index_cast %swap3A_706 : i32 to index
    %swap3A_708 = arith.constant 64 : index
    %swap3A_709 = tpu.vector_load %arg9[%swap3A_707, %swap3A_708] {strides = array<i32>} : memref<4x128xi32, #tpu.memory_space<vmem>>, vector<1x16xi32>,
    %swap3A_710 = vector.shape_cast %swap3A_709 : vector<1x16xi32> to vector<16xi32>
    %swap3A_711 = vector.shape_cast %min3A_705 : vector<16xi32> to vector<1x16xi32>
    tpu.vector_store %arg9[%swap3A_707, %swap3A_708], %swap3A_711 {strides = array<i32>} : memref<4x128xi32, #tpu.memory_space<vmem>>, vector<1x16xi32>,
    %get3A_712 = arith.constant 2 : i32
    %get3A_713 = arith.index_cast %get3A_712 : i32 to index
    %get3A_714 = arith.constant 80 : index
    %get3A_715 = tpu.vector_load %arg8[%get3A_713, %get3A_714] {strides = array<i32>} : memref<4x128xi32, #tpu.memory_space<vmem>>, vector<1x16xi32>,
    %get3A_716 = vector.shape_cast %get3A_715 : vector<1x16xi32> to vector<16xi32>
    %jit3A_717 = arith.constant 0 : i32
    %jit3A_718 = arith.constant 999999 : i32
    %max3A_719 = vector.broadcast %jit3A_717 : i32 to vector<16xi32>
    %max3A_720 = arith.maxsi %max3A_719, %get3A_716 : vector<16xi32>
    %min3A_721 = vector.broadcast %jit3A_718 : i32 to vector<16xi32>
    %min3A_722 = arith.minsi %min3A_721, %max3A_720 : vector<16xi32>
    %swap3A_723 = arith.constant 2 : i32
    %swap3A_724 = arith.index_cast %swap3A_723 : i32 to index
    %swap3A_725 = arith.constant 80 : index
    %swap3A_726 = tpu.vector_load %arg8[%swap3A_724, %swap3A_725] {strides = array<i32>} : memref<4x128xi32, #tpu.memory_space<vmem>>, vector<1x16xi32>,
    %swap3A_727 = vector.shape_cast %swap3A_726 : vector<1x16xi32> to vector<16xi32>
    %swap3A_728 = vector.shape_cast %min3A_722 : vector<16xi32> to vector<1x16xi32>
    tpu.vector_store %arg8[%swap3A_724, %swap3A_725], %swap3A_728 {strides = array<i32>} : memref<4x128xi32, #tpu.memory_space<vmem>>, vector<1x16xi32>,
    %get3A_729 = arith.constant 2 : i32
    %get3A_730 = arith.index_cast %get3A_729 : i32 to index
    %get3A_731 = arith.constant 80 : index
    %get3A_732 = tpu.vector_load %arg9[%get3A_730, %get3A_731] {strides = array<i32>} : memref<4x128xi32, #tpu.memory_space<vmem>>, vector<1x16xi32>,
    %get3A_733 = vector.shape_cast %get3A_732 : vector<1x16xi32> to vector<16xi32>
    %jit3A_734 = arith.constant 0 : i32
    %jit3A_735 = arith.constant 1000000 : i32
    %max3A_736 = vector.broadcast %jit3A_734 : i32 to vector<16xi32>
    %max3A_737 = arith.maxsi %max3A_736, %get3A_733 : vector<16xi32>
    %min3A_738 = vector.broadcast %jit3A_735 : i32 to vector<16xi32>
    %min3A_739 = arith.minsi %min3A_738, %max3A_737 : vector<16xi32>
    %swap3A_740 = arith.constant 2 : i32
    %swap3A_741 = arith.index_cast %swap3A_740 : i32 to index
    %swap3A_742 = arith.constant 80 : index
    %swap3A_743 = tpu.vector_load %arg9[%swap3A_741, %swap3A_742] {strides = array<i32>} : memref<4x128xi32, #tpu.memory_space<vmem>>, vector<1x16xi32>,
    %swap3A_744 = vector.shape_cast %swap3A_743 : vector<1x16xi32> to vector<16xi32>
    %swap3A_745 = vector.shape_cast %min3A_739 : vector<16xi32> to vector<1x16xi32>
    tpu.vector_store %arg9[%swap3A_741, %swap3A_742], %swap3A_745 {strides = array<i32>} : memref<4x128xi32, #tpu.memory_space<vmem>>, vector<1x16xi32>,
    %get3A_746 = arith.constant 2 : i32
    %get3A_747 = arith.index_cast %get3A_746 : i32 to index
    %get3A_748 = arith.constant 96 : index
    %get3A_749 = tpu.vector_load %arg8[%get3A_747, %get3A_748] {strides = array<i32>} : memref<4x128xi32, #tpu.memory_space<vmem>>, vector<1x16xi32>,
    %get3A_750 = vector.shape_cast %get3A_749 : vector<1x16xi32> to vector<16xi32>
    %jit3A_751 = arith.constant 0 : i32
    %jit3A_752 = arith.constant 999999 : i32
    %max3A_753 = vector.broadcast %jit3A_751 : i32 to vector<16xi32>
    %max3A_754 = arith.maxsi %max3A_753, %get3A_750 : vector<16xi32>
    %min3A_755 = vector.broadcast %jit3A_752 : i32 to vector<16xi32>
    %min3A_756 = arith.minsi %min3A_755, %max3A_754 : vector<16xi32>
    %swap3A_757 = arith.constant 2 : i32
    %swap3A_758 = arith.index_cast %swap3A_757 : i32 to index
    %swap3A_759 = arith.constant 96 : index
    %swap3A_760 = tpu.vector_load %arg8[%swap3A_758, %swap3A_759] {strides = array<i32>} : memref<4x128xi32, #tpu.memory_space<vmem>>, vector<1x16xi32>,
    %swap3A_761 = vector.shape_cast %swap3A_760 : vector<1x16xi32> to vector<16xi32>
    %swap3A_762 = vector.shape_cast %min3A_756 : vector<16xi32> to vector<1x16xi32>
    tpu.vector_store %arg8[%swap3A_758, %swap3A_759], %swap3A_762 {strides = array<i32>} : memref<4x128xi32, #tpu.memory_space<vmem>>, vector<1x16xi32>,
    %get3A_763 = arith.constant 2 : i32
    %get3A_764 = arith.index_cast %get3A_763 : i32 to index
    %get3A_765 = arith.constant 96 : index
    %get3A_766 = tpu.vector_load %arg9[%get3A_764, %get3A_765] {strides = array<i32>} : memref<4x128xi32, #tpu.memory_space<vmem>>, vector<1x16xi32>,
    %get3A_767 = vector.shape_cast %get3A_766 : vector<1x16xi32> to vector<16xi32>
    %jit3A_768 = arith.constant 0 : i32
    %jit3A_769 = arith.constant 1000000 : i32
    %max3A_770 = vector.broadcast %jit3A_768 : i32 to vector<16xi32>
    %max3A_771 = arith.maxsi %max3A_770, %get3A_767 : vector<16xi32>
    %min3A_772 = vector.broadcast %jit3A_769 : i32 to vector<16xi32>
    %min3A_773 = arith.minsi %min3A_772, %max3A_771 : vector<16xi32>
    %swap3A_774 = arith.constant 2 : i32
    %swap3A_775 = arith.index_cast %swap3A_774 : i32 to index
    %swap3A_776 = arith.constant 96 : index
    %swap3A_777 = tpu.vector_load %arg9[%swap3A_775, %swap3A_776] {strides = array<i32>} : memref<4x128xi32, #tpu.memory_space<vmem>>, vector<1x16xi32>,
    %swap3A_778 = vector.shape_cast %swap3A_777 : vector<1x16xi32> to vector<16xi32>
    %swap3A_779 = vector.shape_cast %min3A_773 : vector<16xi32> to vector<1x16xi32>
    tpu.vector_store %arg9[%swap3A_775, %swap3A_776], %swap3A_779 {strides = array<i32>} : memref<4x128xi32, #tpu.memory_space<vmem>>, vector<1x16xi32>,
    %get3A_780 = arith.constant 2 : i32
    %get3A_781 = arith.index_cast %get3A_780 : i32 to index
    %get3A_782 = arith.constant 112 : index
    %get3A_783 = tpu.vector_load %arg8[%get3A_781, %get3A_782] {strides = array<i32>} : memref<4x128xi32, #tpu.memory_space<vmem>>, vector<1x16xi32>,
    %get3A_784 = vector.shape_cast %get3A_783 : vector<1x16xi32> to vector<16xi32>
    %jit3A_785 = arith.constant 0 : i32
    %jit3A_786 = arith.constant 999999 : i32
    %max3A_787 = vector.broadcast %jit3A_785 : i32 to vector<16xi32>
    %max3A_788 = arith.maxsi %max3A_787, %get3A_784 : vector<16xi32>
    %min3A_789 = vector.broadcast %jit3A_786 : i32 to vector<16xi32>
    %min3A_790 = arith.minsi %min3A_789, %max3A_788 : vector<16xi32>
    %swap3A_791 = arith.constant 2 : i32
    %swap3A_792 = arith.index_cast %swap3A_791 : i32 to index
    %swap3A_793 = arith.constant 112 : index
    %swap3A_794 = tpu.vector_load %arg8[%swap3A_792, %swap3A_793] {strides = array<i32>} : memref<4x128xi32, #tpu.memory_space<vmem>>, vector<1x16xi32>,
    %swap3A_795 = vector.shape_cast %swap3A_794 : vector<1x16xi32> to vector<16xi32>
    %swap3A_796 = vector.shape_cast %min3A_790 : vector<16xi32> to vector<1x16xi32>
    tpu.vector_store %arg8[%swap3A_792, %swap3A_793], %swap3A_796 {strides = array<i32>} : memref<4x128xi32, #tpu.memory_space<vmem>>, vector<1x16xi32>,
    %get3A_797 = arith.constant 2 : i32
    %get3A_798 = arith.index_cast %get3A_797 : i32 to index
    %get3A_799 = arith.constant 112 : index
    %get3A_800 = tpu.vector_load %arg9[%get3A_798, %get3A_799] {strides = array<i32>} : memref<4x128xi32, #tpu.memory_space<vmem>>, vector<1x16xi32>,
    %get3A_801 = vector.shape_cast %get3A_800 : vector<1x16xi32> to vector<16xi32>
    %jit3A_802 = arith.constant 0 : i32
    %jit3A_803 = arith.constant 1000000 : i32
    %max3A_804 = vector.broadcast %jit3A_802 : i32 to vector<16xi32>
    %max3A_805 = arith.maxsi %max3A_804, %get3A_801 : vector<16xi32>
    %min3A_806 = vector.broadcast %jit3A_803 : i32 to vector<16xi32>
    %min3A_807 = arith.minsi %min3A_806, %max3A_805 : vector<16xi32>
    %swap3A_808 = arith.constant 2 : i32
    %swap3A_809 = arith.index_cast %swap3A_808 : i32 to index
    %swap3A_810 = arith.constant 112 : index
    %swap3A_811 = tpu.vector_load %arg9[%swap3A_809, %swap3A_810] {strides = array<i32>} : memref<4x128xi32, #tpu.memory_space<vmem>>, vector<1x16xi32>,
    %swap3A_812 = vector.shape_cast %swap3A_811 : vector<1x16xi32> to vector<16xi32>
    %swap3A_813 = vector.shape_cast %min3A_807 : vector<16xi32> to vector<1x16xi32>
    tpu.vector_store %arg9[%swap3A_809, %swap3A_810], %swap3A_813 {strides = array<i32>} : memref<4x128xi32, #tpu.memory_space<vmem>>, vector<1x16xi32>,
    %get3A_814 = arith.constant 3 : i32
    %get3A_815 = arith.index_cast %get3A_814 : i32 to index
    %get3A_816 = arith.constant 0 : index
    %get3A_817 = tpu.vector_load %arg8[%get3A_815, %get3A_816] {strides = array<i32>} : memref<4x128xi32, #tpu.memory_space<vmem>>, vector<1x16xi32>,
    %get3A_818 = vector.shape_cast %get3A_817 : vector<1x16xi32> to vector<16xi32>
    %jit3A_819 = arith.constant 0 : i32
    %jit3A_820 = arith.constant 999999 : i32
    %max3A_821 = vector.broadcast %jit3A_819 : i32 to vector<16xi32>
    %max3A_822 = arith.maxsi %max3A_821, %get3A_818 : vector<16xi32>
    %min3A_823 = vector.broadcast %jit3A_820 : i32 to vector<16xi32>
    %min3A_824 = arith.minsi %min3A_823, %max3A_822 : vector<16xi32>
    %swap3A_825 = arith.constant 3 : i32
    %swap3A_826 = arith.index_cast %swap3A_825 : i32 to index
    %swap3A_827 = arith.constant 0 : index
    %swap3A_828 = tpu.vector_load %arg8[%swap3A_826, %swap3A_827] {strides = array<i32>} : memref<4x128xi32, #tpu.memory_space<vmem>>, vector<1x16xi32>,
    %swap3A_829 = vector.shape_cast %swap3A_828 : vector<1x16xi32> to vector<16xi32>
    %swap3A_830 = vector.shape_cast %min3A_824 : vector<16xi32> to vector<1x16xi32>
    tpu.vector_store %arg8[%swap3A_826, %swap3A_827], %swap3A_830 {strides = array<i32>} : memref<4x128xi32, #tpu.memory_space<vmem>>, vector<1x16xi32>,
    %get3A_831 = arith.constant 3 : i32
    %get3A_832 = arith.index_cast %get3A_831 : i32 to index
    %get3A_833 = arith.constant 0 : index
    %get3A_834 = tpu.vector_load %arg9[%get3A_832, %get3A_833] {strides = array<i32>} : memref<4x128xi32, #tpu.memory_space<vmem>>, vector<1x16xi32>,
    %get3A_835 = vector.shape_cast %get3A_834 : vector<1x16xi32> to vector<16xi32>
    %jit3A_836 = arith.constant 0 : i32
    %jit3A_837 = arith.constant 1000000 : i32
    %max3A_838 = vector.broadcast %jit3A_836 : i32 to vector<16xi32>
    %max3A_839 = arith.maxsi %max3A_838, %get3A_835 : vector<16xi32>
    %min3A_840 = vector.broadcast %jit3A_837 : i32 to vector<16xi32>
    %min3A_841 = arith.minsi %min3A_840, %max3A_839 : vector<16xi32>
    %swap3A_842 = arith.constant 3 : i32
    %swap3A_843 = arith.index_cast %swap3A_842 : i32 to index
    %swap3A_844 = arith.constant 0 : index
    %swap3A_845 = tpu.vector_load %arg9[%swap3A_843, %swap3A_844] {strides = array<i32>} : memref<4x128xi32, #tpu.memory_space<vmem>>, vector<1x16xi32>,
    %swap3A_846 = vector.shape_cast %swap3A_845 : vector<1x16xi32> to vector<16xi32>
    %swap3A_847 = vector.shape_cast %min3A_841 : vector<16xi32> to vector<1x16xi32>
    tpu.vector_store %arg9[%swap3A_843, %swap3A_844], %swap3A_847 {strides = array<i32>} : memref<4x128xi32, #tpu.memory_space<vmem>>, vector<1x16xi32>,
    %get3A_848 = arith.constant 3 : i32
    %get3A_849 = arith.index_cast %get3A_848 : i32 to index
    %get3A_850 = arith.constant 16 : index
    %get3A_851 = tpu.vector_load %arg8[%get3A_849, %get3A_850] {strides = array<i32>} : memref<4x128xi32, #tpu.memory_space<vmem>>, vector<1x16xi32>,
    %get3A_852 = vector.shape_cast %get3A_851 : vector<1x16xi32> to vector<16xi32>
    %jit3A_853 = arith.constant 0 : i32
    %jit3A_854 = arith.constant 999999 : i32
    %max3A_855 = vector.broadcast %jit3A_853 : i32 to vector<16xi32>
    %max3A_856 = arith.maxsi %max3A_855, %get3A_852 : vector<16xi32>
    %min3A_857 = vector.broadcast %jit3A_854 : i32 to vector<16xi32>
    %min3A_858 = arith.minsi %min3A_857, %max3A_856 : vector<16xi32>
    %swap3A_859 = arith.constant 3 : i32
    %swap3A_860 = arith.index_cast %swap3A_859 : i32 to index
    %swap3A_861 = arith.constant 16 : index
    %swap3A_862 = tpu.vector_load %arg8[%swap3A_860, %swap3A_861] {strides = array<i32>} : memref<4x128xi32, #tpu.memory_space<vmem>>, vector<1x16xi32>,
    %swap3A_863 = vector.shape_cast %swap3A_862 : vector<1x16xi32> to vector<16xi32>
    %swap3A_864 = vector.shape_cast %min3A_858 : vector<16xi32> to vector<1x16xi32>
    tpu.vector_store %arg8[%swap3A_860, %swap3A_861], %swap3A_864 {strides = array<i32>} : memref<4x128xi32, #tpu.memory_space<vmem>>, vector<1x16xi32>,
    %get3A_865 = arith.constant 3 : i32
    %get3A_866 = arith.index_cast %get3A_865 : i32 to index
    %get3A_867 = arith.constant 16 : index
    %get3A_868 = tpu.vector_load %arg9[%get3A_866, %get3A_867] {strides = array<i32>} : memref<4x128xi32, #tpu.memory_space<vmem>>, vector<1x16xi32>,
    %get3A_869 = vector.shape_cast %get3A_868 : vector<1x16xi32> to vector<16xi32>
    %jit3A_870 = arith.constant 0 : i32
    %jit3A_871 = arith.constant 1000000 : i32
    %max3A_872 = vector.broadcast %jit3A_870 : i32 to vector<16xi32>
    %max3A_873 = arith.maxsi %max3A_872, %get3A_869 : vector<16xi32>
    %min3A_874 = vector.broadcast %jit3A_871 : i32 to vector<16xi32>
    %min3A_875 = arith.minsi %min3A_874, %max3A_873 : vector<16xi32>
    %swap3A_876 = arith.constant 3 : i32
    %swap3A_877 = arith.index_cast %swap3A_876 : i32 to index
    %swap3A_878 = arith.constant 16 : index
    %swap3A_879 = tpu.vector_load %arg9[%swap3A_877, %swap3A_878] {strides = array<i32>} : memref<4x128xi32, #tpu.memory_space<vmem>>, vector<1x16xi32>,
    %swap3A_880 = vector.shape_cast %swap3A_879 : vector<1x16xi32> to vector<16xi32>
    %swap3A_881 = vector.shape_cast %min3A_875 : vector<16xi32> to vector<1x16xi32>
    tpu.vector_store %arg9[%swap3A_877, %swap3A_878], %swap3A_881 {strides = array<i32>} : memref<4x128xi32, #tpu.memory_space<vmem>>, vector<1x16xi32>,
    %get3A_882 = arith.constant 3 : i32
    %get3A_883 = arith.index_cast %get3A_882 : i32 to index
    %get3A_884 = arith.constant 32 : index
    %get3A_885 = tpu.vector_load %arg8[%get3A_883, %get3A_884] {strides = array<i32>} : memref<4x128xi32, #tpu.memory_space<vmem>>, vector<1x16xi32>,
    %get3A_886 = vector.shape_cast %get3A_885 : vector<1x16xi32> to vector<16xi32>
    %jit3A_887 = arith.constant 0 : i32
    %jit3A_888 = arith.constant 999999 : i32
    %max3A_889 = vector.broadcast %jit3A_887 : i32 to vector<16xi32>
    %max3A_890 = arith.maxsi %max3A_889, %get3A_886 : vector<16xi32>
    %min3A_891 = vector.broadcast %jit3A_888 : i32 to vector<16xi32>
    %min3A_892 = arith.minsi %min3A_891, %max3A_890 : vector<16xi32>
    %swap3A_893 = arith.constant 3 : i32
    %swap3A_894 = arith.index_cast %swap3A_893 : i32 to index
    %swap3A_895 = arith.constant 32 : index
    %swap3A_896 = tpu.vector_load %arg8[%swap3A_894, %swap3A_895] {strides = array<i32>} : memref<4x128xi32, #tpu.memory_space<vmem>>, vector<1x16xi32>,
    %swap3A_897 = vector.shape_cast %swap3A_896 : vector<1x16xi32> to vector<16xi32>
    %swap3A_898 = vector.shape_cast %min3A_892 : vector<16xi32> to vector<1x16xi32>
    tpu.vector_store %arg8[%swap3A_894, %swap3A_895], %swap3A_898 {strides = array<i32>} : memref<4x128xi32, #tpu.memory_space<vmem>>, vector<1x16xi32>,
    %get3A_899 = arith.constant 3 : i32
    %get3A_900 = arith.index_cast %get3A_899 : i32 to index
    %get3A_901 = arith.constant 32 : index
    %get3A_902 = tpu.vector_load %arg9[%get3A_900, %get3A_901] {strides = array<i32>} : memref<4x128xi32, #tpu.memory_space<vmem>>, vector<1x16xi32>,
    %get3A_903 = vector.shape_cast %get3A_902 : vector<1x16xi32> to vector<16xi32>
    %jit3A_904 = arith.constant 0 : i32
    %jit3A_905 = arith.constant 1000000 : i32
    %max3A_906 = vector.broadcast %jit3A_904 : i32 to vector<16xi32>
    %max3A_907 = arith.maxsi %max3A_906, %get3A_903 : vector<16xi32>
    %min3A_908 = vector.broadcast %jit3A_905 : i32 to vector<16xi32>
    %min3A_909 = arith.minsi %min3A_908, %max3A_907 : vector<16xi32>
    %swap3A_910 = arith.constant 3 : i32
    %swap3A_911 = arith.index_cast %swap3A_910 : i32 to index
    %swap3A_912 = arith.constant 32 : index
    %swap3A_913 = tpu.vector_load %arg9[%swap3A_911, %swap3A_912] {strides = array<i32>} : memref<4x128xi32, #tpu.memory_space<vmem>>, vector<1x16xi32>,
    %swap3A_914 = vector.shape_cast %swap3A_913 : vector<1x16xi32> to vector<16xi32>
    %swap3A_915 = vector.shape_cast %min3A_909 : vector<16xi32> to vector<1x16xi32>
    tpu.vector_store %arg9[%swap3A_911, %swap3A_912], %swap3A_915 {strides = array<i32>} : memref<4x128xi32, #tpu.memory_space<vmem>>, vector<1x16xi32>,
    %get3A_916 = arith.constant 3 : i32
    %get3A_917 = arith.index_cast %get3A_916 : i32 to index
    %get3A_918 = arith.constant 48 : index
    %get3A_919 = tpu.vector_load %arg8[%get3A_917, %get3A_918] {strides = array<i32>} : memref<4x128xi32, #tpu.memory_space<vmem>>, vector<1x16xi32>,
    %get3A_920 = vector.shape_cast %get3A_919 : vector<1x16xi32> to vector<16xi32>
    %jit3A_921 = arith.constant 0 : i32
    %jit3A_922 = arith.constant 999999 : i32
    %max3A_923 = vector.broadcast %jit3A_921 : i32 to vector<16xi32>
    %max3A_924 = arith.maxsi %max3A_923, %get3A_920 : vector<16xi32>
    %min3A_925 = vector.broadcast %jit3A_922 : i32 to vector<16xi32>
    %min3A_926 = arith.minsi %min3A_925, %max3A_924 : vector<16xi32>
    %swap3A_927 = arith.constant 3 : i32
    %swap3A_928 = arith.index_cast %swap3A_927 : i32 to index
    %swap3A_929 = arith.constant 48 : index
    %swap3A_930 = tpu.vector_load %arg8[%swap3A_928, %swap3A_929] {strides = array<i32>} : memref<4x128xi32, #tpu.memory_space<vmem>>, vector<1x16xi32>,
    %swap3A_931 = vector.shape_cast %swap3A_930 : vector<1x16xi32> to vector<16xi32>
    %swap3A_932 = vector.shape_cast %min3A_926 : vector<16xi32> to vector<1x16xi32>
    tpu.vector_store %arg8[%swap3A_928, %swap3A_929], %swap3A_932 {strides = array<i32>} : memref<4x128xi32, #tpu.memory_space<vmem>>, vector<1x16xi32>,
    %get3A_933 = arith.constant 3 : i32
    %get3A_934 = arith.index_cast %get3A_933 : i32 to index
    %get3A_935 = arith.constant 48 : index
    %get3A_936 = tpu.vector_load %arg9[%get3A_934, %get3A_935] {strides = array<i32>} : memref<4x128xi32, #tpu.memory_space<vmem>>, vector<1x16xi32>,
    %get3A_937 = vector.shape_cast %get3A_936 : vector<1x16xi32> to vector<16xi32>
    %jit3A_938 = arith.constant 0 : i32
    %jit3A_939 = arith.constant 1000000 : i32
    %max3A_940 = vector.broadcast %jit3A_938 : i32 to vector<16xi32>
    %max3A_941 = arith.maxsi %max3A_940, %get3A_937 : vector<16xi32>
    %min3A_942 = vector.broadcast %jit3A_939 : i32 to vector<16xi32>
    %min3A_943 = arith.minsi %min3A_942, %max3A_941 : vector<16xi32>
    %swap3A_944 = arith.constant 3 : i32
    %swap3A_945 = arith.index_cast %swap3A_944 : i32 to index
    %swap3A_946 = arith.constant 48 : index
    %swap3A_947 = tpu.vector_load %arg9[%swap3A_945, %swap3A_946] {strides = array<i32>} : memref<4x128xi32, #tpu.memory_space<vmem>>, vector<1x16xi32>,
    %swap3A_948 = vector.shape_cast %swap3A_947 : vector<1x16xi32> to vector<16xi32>
    %swap3A_949 = vector.shape_cast %min3A_943 : vector<16xi32> to vector<1x16xi32>
    tpu.vector_store %arg9[%swap3A_945, %swap3A_946], %swap3A_949 {strides = array<i32>} : memref<4x128xi32, #tpu.memory_space<vmem>>, vector<1x16xi32>,
    %get3A_950 = arith.constant 3 : i32
    %get3A_951 = arith.index_cast %get3A_950 : i32 to index
    %get3A_952 = arith.constant 64 : index
    %get3A_953 = tpu.vector_load %arg8[%get3A_951, %get3A_952] {strides = array<i32>} : memref<4x128xi32, #tpu.memory_space<vmem>>, vector<1x16xi32>,
    %get3A_954 = vector.shape_cast %get3A_953 : vector<1x16xi32> to vector<16xi32>
    %jit3A_955 = arith.constant 0 : i32
    %jit3A_956 = arith.constant 999999 : i32
    %max3A_957 = vector.broadcast %jit3A_955 : i32 to vector<16xi32>
    %max3A_958 = arith.maxsi %max3A_957, %get3A_954 : vector<16xi32>
    %min3A_959 = vector.broadcast %jit3A_956 : i32 to vector<16xi32>
    %min3A_960 = arith.minsi %min3A_959, %max3A_958 : vector<16xi32>
    %swap3A_961 = arith.constant 3 : i32
    %swap3A_962 = arith.index_cast %swap3A_961 : i32 to index
    %swap3A_963 = arith.constant 64 : index
    %swap3A_964 = tpu.vector_load %arg8[%swap3A_962, %swap3A_963] {strides = array<i32>} : memref<4x128xi32, #tpu.memory_space<vmem>>, vector<1x16xi32>,
    %swap3A_965 = vector.shape_cast %swap3A_964 : vector<1x16xi32> to vector<16xi32>
    %swap3A_966 = vector.shape_cast %min3A_960 : vector<16xi32> to vector<1x16xi32>
    tpu.vector_store %arg8[%swap3A_962, %swap3A_963], %swap3A_966 {strides = array<i32>} : memref<4x128xi32, #tpu.memory_space<vmem>>, vector<1x16xi32>,
    %get3A_967 = arith.constant 3 : i32
    %get3A_968 = arith.index_cast %get3A_967 : i32 to index
    %get3A_969 = arith.constant 64 : index
    %get3A_970 = tpu.vector_load %arg9[%get3A_968, %get3A_969] {strides = array<i32>} : memref<4x128xi32, #tpu.memory_space<vmem>>, vector<1x16xi32>,
    %get3A_971 = vector.shape_cast %get3A_970 : vector<1x16xi32> to vector<16xi32>
    %jit3A_972 = arith.constant 0 : i32
    %jit3A_973 = arith.constant 1000000 : i32
    %max3A_974 = vector.broadcast %jit3A_972 : i32 to vector<16xi32>
    %max3A_975 = arith.maxsi %max3A_974, %get3A_971 : vector<16xi32>
    %min3A_976 = vector.broadcast %jit3A_973 : i32 to vector<16xi32>
    %min3A_977 = arith.minsi %min3A_976, %max3A_975 : vector<16xi32>
    %swap3A_978 = arith.constant 3 : i32
    %swap3A_979 = arith.index_cast %swap3A_978 : i32 to index
    %swap3A_980 = arith.constant 64 : index
    %swap3A_981 = tpu.vector_load %arg9[%swap3A_979, %swap3A_980] {strides = array<i32>} : memref<4x128xi32, #tpu.memory_space<vmem>>, vector<1x16xi32>,
    %swap3A_982 = vector.shape_cast %swap3A_981 : vector<1x16xi32> to vector<16xi32>
    %swap3A_983 = vector.shape_cast %min3A_977 : vector<16xi32> to vector<1x16xi32>
    tpu.vector_store %arg9[%swap3A_979, %swap3A_980], %swap3A_983 {strides = array<i32>} : memref<4x128xi32, #tpu.memory_space<vmem>>, vector<1x16xi32>,
    %get3A_984 = arith.constant 3 : i32
    %get3A_985 = arith.index_cast %get3A_984 : i32 to index
    %get3A_986 = arith.constant 80 : index
    %get3A_987 = tpu.vector_load %arg8[%get3A_985, %get3A_986] {strides = array<i32>} : memref<4x128xi32, #tpu.memory_space<vmem>>, vector<1x16xi32>,
    %get3A_988 = vector.shape_cast %get3A_987 : vector<1x16xi32> to vector<16xi32>
    %jit3A_989 = arith.constant 0 : i32
    %jit3A_990 = arith.constant 999999 : i32
    %max3A_991 = vector.broadcast %jit3A_989 : i32 to vector<16xi32>
    %max3A_992 = arith.maxsi %max3A_991, %get3A_988 : vector<16xi32>
    %min3A_993 = vector.broadcast %jit3A_990 : i32 to vector<16xi32>
    %min3A_994 = arith.minsi %min3A_993, %max3A_992 : vector<16xi32>
    %swap3A_995 = arith.constant 3 : i32
    %swap3A_996 = arith.index_cast %swap3A_995 : i32 to index
    %swap3A_997 = arith.constant 80 : index
    %swap3A_998 = tpu.vector_load %arg8[%swap3A_996, %swap3A_997] {strides = array<i32>} : memref<4x128xi32, #tpu.memory_space<vmem>>, vector<1x16xi32>,
    %swap3A_999 = vector.shape_cast %swap3A_998 : vector<1x16xi32> to vector<16xi32>
    %swap3A_1000 = vector.shape_cast %min3A_994 : vector<16xi32> to vector<1x16xi32>
    tpu.vector_store %arg8[%swap3A_996, %swap3A_997], %swap3A_1000 {strides = array<i32>} : memref<4x128xi32, #tpu.memory_space<vmem>>, vector<1x16xi32>,
    %get3A_1001 = arith.constant 3 : i32
    %get3A_1002 = arith.index_cast %get3A_1001 : i32 to index
    %get3A_1003 = arith.constant 80 : index
    %get3A_1004 = tpu.vector_load %arg9[%get3A_1002, %get3A_1003] {strides = array<i32>} : memref<4x128xi32, #tpu.memory_space<vmem>>, vector<1x16xi32>,
    %get3A_1005 = vector.shape_cast %get3A_1004 : vector<1x16xi32> to vector<16xi32>
    %jit3A_1006 = arith.constant 0 : i32
    %jit3A_1007 = arith.constant 1000000 : i32
    %max3A_1008 = vector.broadcast %jit3A_1006 : i32 to vector<16xi32>
    %max3A_1009 = arith.maxsi %max3A_1008, %get3A_1005 : vector<16xi32>
    %min3A_1010 = vector.broadcast %jit3A_1007 : i32 to vector<16xi32>
    %min3A_1011 = arith.minsi %min3A_1010, %max3A_1009 : vector<16xi32>
    %swap3A_1012 = arith.constant 3 : i32
    %swap3A_1013 = arith.index_cast %swap3A_1012 : i32 to index
    %swap3A_1014 = arith.constant 80 : index
    %swap3A_1015 = tpu.vector_load %arg9[%swap3A_1013, %swap3A_1014] {strides = array<i32>} : memref<4x128xi32, #tpu.memory_space<vmem>>, vector<1x16xi32>,
    %swap3A_1016 = vector.shape_cast %swap3A_1015 : vector<1x16xi32> to vector<16xi32>
    %swap3A_1017 = vector.shape_cast %min3A_1011 : vector<16xi32> to vector<1x16xi32>
    tpu.vector_store %arg9[%swap3A_1013, %swap3A_1014], %swap3A_1017 {strides = array<i32>} : memref<4x128xi32, #tpu.memory_space<vmem>>, vector<1x16xi32>,
    %get3A_1018 = arith.constant 3 : i32
    %get3A_1019 = arith.index_cast %get3A_1018 : i32 to index
    %get3A_1020 = arith.constant 96 : index
    %get3A_1021 = tpu.vector_load %arg8[%get3A_1019, %get3A_1020] {strides = array<i32>} : memref<4x128xi32, #tpu.memory_space<vmem>>, vector<1x16xi32>,
    %get3A_1022 = vector.shape_cast %get3A_1021 : vector<1x16xi32> to vector<16xi32>
    %jit3A_1023 = arith.constant 0 : i32
    %jit3A_1024 = arith.constant 999999 : i32
    %max3A_1025 = vector.broadcast %jit3A_1023 : i32 to vector<16xi32>
    %max3A_1026 = arith.maxsi %max3A_1025, %get3A_1022 : vector<16xi32>
    %min3A_1027 = vector.broadcast %jit3A_1024 : i32 to vector<16xi32>
    %min3A_1028 = arith.minsi %min3A_1027, %max3A_1026 : vector<16xi32>
    %swap3A_1029 = arith.constant 3 : i32
    %swap3A_1030 = arith.index_cast %swap3A_1029 : i32 to index
    %swap3A_1031 = arith.constant 96 : index
    %swap3A_1032 = tpu.vector_load %arg8[%swap3A_1030, %swap3A_1031] {strides = array<i32>} : memref<4x128xi32, #tpu.memory_space<vmem>>, vector<1x16xi32>,
    %swap3A_1033 = vector.shape_cast %swap3A_1032 : vector<1x16xi32> to vector<16xi32>
    %swap3A_1034 = vector.shape_cast %min3A_1028 : vector<16xi32> to vector<1x16xi32>
    tpu.vector_store %arg8[%swap3A_1030, %swap3A_1031], %swap3A_1034 {strides = array<i32>} : memref<4x128xi32, #tpu.memory_space<vmem>>, vector<1x16xi32>,
    %get3A_1035 = arith.constant 3 : i32
    %get3A_1036 = arith.index_cast %get3A_1035 : i32 to index
    %get3A_1037 = arith.constant 96 : index
    %get3A_1038 = tpu.vector_load %arg9[%get3A_1036, %get3A_1037] {strides = array<i32>} : memref<4x128xi32, #tpu.memory_space<vmem>>, vector<1x16xi32>,
    %get3A_1039 = vector.shape_cast %get3A_1038 : vector<1x16xi32> to vector<16xi32>
    %jit3A_1040 = arith.constant 0 : i32
    %jit3A_1041 = arith.constant 1000000 : i32
    %max3A_1042 = vector.broadcast %jit3A_1040 : i32 to vector<16xi32>
    %max3A_1043 = arith.maxsi %max3A_1042, %get3A_1039 : vector<16xi32>
    %min3A_1044 = vector.broadcast %jit3A_1041 : i32 to vector<16xi32>
    %min3A_1045 = arith.minsi %min3A_1044, %max3A_1043 : vector<16xi32>
    %swap3A_1046 = arith.constant 3 : i32
    %swap3A_1047 = arith.index_cast %swap3A_1046 : i32 to index
    %swap3A_1048 = arith.constant 96 : index
    %swap3A_1049 = tpu.vector_load %arg9[%swap3A_1047, %swap3A_1048] {strides = array<i32>} : memref<4x128xi32, #tpu.memory_space<vmem>>, vector<1x16xi32>,
    %swap3A_1050 = vector.shape_cast %swap3A_1049 : vector<1x16xi32> to vector<16xi32>
    %swap3A_1051 = vector.shape_cast %min3A_1045 : vector<16xi32> to vector<1x16xi32>
    tpu.vector_store %arg9[%swap3A_1047, %swap3A_1048], %swap3A_1051 {strides = array<i32>} : memref<4x128xi32, #tpu.memory_space<vmem>>, vector<1x16xi32>,
    %get3A_1052 = arith.constant 3 : i32
    %get3A_1053 = arith.index_cast %get3A_1052 : i32 to index
    %get3A_1054 = arith.constant 112 : index
    %get3A_1055 = tpu.vector_load %arg8[%get3A_1053, %get3A_1054] {strides = array<i32>} : memref<4x128xi32, #tpu.memory_space<vmem>>, vector<1x16xi32>,
    %get3A_1056 = vector.shape_cast %get3A_1055 : vector<1x16xi32> to vector<16xi32>
    %jit3A_1057 = arith.constant 0 : i32
    %jit3A_1058 = arith.constant 999999 : i32
    %max3A_1059 = vector.broadcast %jit3A_1057 : i32 to vector<16xi32>
    %max3A_1060 = arith.maxsi %max3A_1059, %get3A_1056 : vector<16xi32>
    %min3A_1061 = vector.broadcast %jit3A_1058 : i32 to vector<16xi32>
    %min3A_1062 = arith.minsi %min3A_1061, %max3A_1060 : vector<16xi32>
    %swap3A_1063 = arith.constant 3 : i32
    %swap3A_1064 = arith.index_cast %swap3A_1063 : i32 to index
    %swap3A_1065 = arith.constant 112 : index
    %swap3A_1066 = tpu.vector_load %arg8[%swap3A_1064, %swap3A_1065] {strides = array<i32>} : memref<4x128xi32, #tpu.memory_space<vmem>>, vector<1x16xi32>,
    %swap3A_1067 = vector.shape_cast %swap3A_1066 : vector<1x16xi32> to vector<16xi32>
    %swap3A_1068 = vector.shape_cast %min3A_1062 : vector<16xi32> to vector<1x16xi32>
    tpu.vector_store %arg8[%swap3A_1064, %swap3A_1065], %swap3A_1068 {strides = array<i32>} : memref<4x128xi32, #tpu.memory_space<vmem>>, vector<1x16xi32>,
    %get3A_1069 = arith.constant 3 : i32
    %get3A_1070 = arith.index_cast %get3A_1069 : i32 to index
    %get3A_1071 = arith.constant 112 : index
    %get3A_1072 = tpu.vector_load %arg9[%get3A_1070, %get3A_1071] {strides = array<i32>} : memref<4x128xi32, #tpu.memory_space<vmem>>, vector<1x16xi32>,
    %get3A_1073 = vector.shape_cast %get3A_1072 : vector<1x16xi32> to vector<16xi32>
    %jit3A_1074 = arith.constant 0 : i32
    %jit3A_1075 = arith.constant 1000000 : i32
    %max3A_1076 = vector.broadcast %jit3A_1074 : i32 to vector<16xi32>
    %max3A_1077 = arith.maxsi %max3A_1076, %get3A_1073 : vector<16xi32>
    %min3A_1078 = vector.broadcast %jit3A_1075 : i32 to vector<16xi32>
    %min3A_1079 = arith.minsi %min3A_1078, %max3A_1077 : vector<16xi32>
    %swap3A_1080 = arith.constant 3 : i32
    %swap3A_1081 = arith.index_cast %swap3A_1080 : i32 to index
    %swap3A_1082 = arith.constant 112 : index
    %swap3A_1083 = tpu.vector_load %arg9[%swap3A_1081, %swap3A_1082] {strides = array<i32>} : memref<4x128xi32, #tpu.memory_space<vmem>>, vector<1x16xi32>,
    %swap3A_1084 = vector.shape_cast %swap3A_1083 : vector<1x16xi32> to vector<16xi32>
    %swap3A_1085 = vector.shape_cast %min3A_1079 : vector<16xi32> to vector<1x16xi32>
    tpu.vector_store %arg9[%swap3A_1081, %swap3A_1082], %swap3A_1085 {strides = array<i32>} : memref<4x128xi32, #tpu.memory_space<vmem>>, vector<1x16xi32>,
    %dma_start3A = arith.constant 0 : i32
    %dma_start3A_1086 = arith.constant 0 : i32
    %dma_start3A_1087 = arith.constant 0 : i32
    %dma_start3A_1088 = tpu.memref_slice %arg10[%dma_start3A_1086, %dma_start3A_1087] : memref<4x128xf32, #tpu.memory_space<vmem>> -> memref<1x128xf32, #tpu.memory_space<vmem>>
    %dma_start3A_1089 = tpu.memref_squeeze %dma_start3A_1088 : memref<1x128xf32, #tpu.memory_space<vmem>> -> memref<128xf32, #tpu.memory_space<vmem>>
    %dma_start3A_1090 = arith.constant 0 : i32
    %dma_start3A_1091 = tpu.memref_slice %arg8[%dma_start3A, %dma_start3A_1090] : memref<4x128xi32, #tpu.memory_space<vmem>> -> memref<1x128xi32, #tpu.memory_space<vmem>>
    %dma_start3A_1092 = tpu.memref_squeeze %dma_start3A_1091 : memref<1x128xi32, #tpu.memory_space<vmem>> -> memref<128xi32, #tpu.memory_space<vmem>>
    %dma_start3A_1093 = arith.constant 0 : i32
    %dma_start3A_1094 = tpu.memref_slice %arg4[%dma_start3A_1093] : memref<1000000xf32, #tpu.memory_space<hbm>> -> memref<1000000xf32, #tpu.memory_space<hbm>>
    tpu.enqueue_indirect_dma source(%dma_start3A_1094 : memref<1000000xf32, #tpu.memory_space<hbm>>) target(%dma_start3A_1089 : memref<128xf32, #tpu.memory_space<vmem>>) offsets(%dma_start3A_1092 : memref<128xi32, #tpu.memory_space<vmem>>) semaphore(%arg12 : memref<!tpu.dma_semaphore, #tpu.memory_space<semaphore_mem>>)
    %dma_start3A_1095 = arith.constant 0 : i32
    %dma_start3A_1096 = arith.constant 0 : i32
    %dma_start3A_1097 = arith.constant 0 : i32
    %dma_start3A_1098 = tpu.memref_slice %arg11[%dma_start3A_1096, %dma_start3A_1097] : memref<4x128xf32, #tpu.memory_space<vmem>> -> memref<1x128xf32, #tpu.memory_space<vmem>>
    %dma_start3A_1099 = tpu.memref_squeeze %dma_start3A_1098 : memref<1x128xf32, #tpu.memory_space<vmem>> -> memref<128xf32, #tpu.memory_space<vmem>>
    %dma_start3A_1100 = arith.constant 0 : i32
    %dma_start3A_1101 = tpu.memref_slice %arg9[%dma_start3A_1095, %dma_start3A_1100] : memref<4x128xi32, #tpu.memory_space<vmem>> -> memref<1x128xi32, #tpu.memory_space<vmem>>
    %dma_start3A_1102 = tpu.memref_squeeze %dma_start3A_1101 : memref<1x128xi32, #tpu.memory_space<vmem>> -> memref<128xi32, #tpu.memory_space<vmem>>
    %dma_start3A_1103 = arith.constant 0 : i32
    %dma_start3A_1104 = tpu.memref_slice %arg5[%dma_start3A_1103] : memref<1000001xf32, #tpu.memory_space<hbm>> -> memref<1000001xf32, #tpu.memory_space<hbm>>
    tpu.enqueue_indirect_dma source(%dma_start3A_1104 : memref<1000001xf32, #tpu.memory_space<hbm>>) target(%dma_start3A_1099 : memref<128xf32, #tpu.memory_space<vmem>>) offsets(%dma_start3A_1102 : memref<128xi32, #tpu.memory_space<vmem>>) semaphore(%arg12 : memref<!tpu.dma_semaphore, #tpu.memory_space<semaphore_mem>>)
    %dma_start3A_1105 = arith.constant 1 : i32
    %dma_start3A_1106 = arith.constant 1 : i32
    %dma_start3A_1107 = arith.constant 0 : i32
    %dma_start3A_1108 = tpu.memref_slice %arg10[%dma_start3A_1106, %dma_start3A_1107] : memref<4x128xf32, #tpu.memory_space<vmem>> -> memref<1x128xf32, #tpu.memory_space<vmem>>
    %dma_start3A_1109 = tpu.memref_squeeze %dma_start3A_1108 : memref<1x128xf32, #tpu.memory_space<vmem>> -> memref<128xf32, #tpu.memory_space<vmem>>
    %dma_start3A_1110 = arith.constant 0 : i32
    %dma_start3A_1111 = tpu.memref_slice %arg8[%dma_start3A_1105, %dma_start3A_1110] : memref<4x128xi32, #tpu.memory_space<vmem>> -> memref<1x128xi32, #tpu.memory_space<vmem>>
    %dma_start3A_1112 = tpu.memref_squeeze %dma_start3A_1111 : memref<1x128xi32, #tpu.memory_space<vmem>> -> memref<128xi32, #tpu.memory_space<vmem>>
    %dma_start3A_1113 = arith.constant 0 : i32
    %dma_start3A_1114 = tpu.memref_slice %arg4[%dma_start3A_1113] : memref<1000000xf32, #tpu.memory_space<hbm>> -> memref<1000000xf32, #tpu.memory_space<hbm>>
    tpu.enqueue_indirect_dma source(%dma_start3A_1114 : memref<1000000xf32, #tpu.memory_space<hbm>>) target(%dma_start3A_1109 : memref<128xf32, #tpu.memory_space<vmem>>) offsets(%dma_start3A_1112 : memref<128xi32, #tpu.memory_space<vmem>>) semaphore(%arg12 : memref<!tpu.dma_semaphore, #tpu.memory_space<semaphore_mem>>)
    %dma_start3A_1115 = arith.constant 1 : i32
    %dma_start3A_1116 = arith.constant 1 : i32
    %dma_start3A_1117 = arith.constant 0 : i32
    %dma_start3A_1118 = tpu.memref_slice %arg11[%dma_start3A_1116, %dma_start3A_1117] : memref<4x128xf32, #tpu.memory_space<vmem>> -> memref<1x128xf32, #tpu.memory_space<vmem>>
    %dma_start3A_1119 = tpu.memref_squeeze %dma_start3A_1118 : memref<1x128xf32, #tpu.memory_space<vmem>> -> memref<128xf32, #tpu.memory_space<vmem>>
    %dma_start3A_1120 = arith.constant 0 : i32
    %dma_start3A_1121 = tpu.memref_slice %arg9[%dma_start3A_1115, %dma_start3A_1120] : memref<4x128xi32, #tpu.memory_space<vmem>> -> memref<1x128xi32, #tpu.memory_space<vmem>>
    %dma_start3A_1122 = tpu.memref_squeeze %dma_start3A_1121 : memref<1x128xi32, #tpu.memory_space<vmem>> -> memref<128xi32, #tpu.memory_space<vmem>>
    %dma_start3A_1123 = arith.constant 0 : i32
    %dma_start3A_1124 = tpu.memref_slice %arg5[%dma_start3A_1123] : memref<1000001xf32, #tpu.memory_space<hbm>> -> memref<1000001xf32, #tpu.memory_space<hbm>>
    tpu.enqueue_indirect_dma source(%dma_start3A_1124 : memref<1000001xf32, #tpu.memory_space<hbm>>) target(%dma_start3A_1119 : memref<128xf32, #tpu.memory_space<vmem>>) offsets(%dma_start3A_1122 : memref<128xi32, #tpu.memory_space<vmem>>) semaphore(%arg12 : memref<!tpu.dma_semaphore, #tpu.memory_space<semaphore_mem>>)
    %dma_start3A_1125 = arith.constant 2 : i32
    %dma_start3A_1126 = arith.constant 2 : i32
    %dma_start3A_1127 = arith.constant 0 : i32
    %dma_start3A_1128 = tpu.memref_slice %arg10[%dma_start3A_1126, %dma_start3A_1127] : memref<4x128xf32, #tpu.memory_space<vmem>> -> memref<1x128xf32, #tpu.memory_space<vmem>>
    %dma_start3A_1129 = tpu.memref_squeeze %dma_start3A_1128 : memref<1x128xf32, #tpu.memory_space<vmem>> -> memref<128xf32, #tpu.memory_space<vmem>>
    %dma_start3A_1130 = arith.constant 0 : i32
    %dma_start3A_1131 = tpu.memref_slice %arg8[%dma_start3A_1125, %dma_start3A_1130] : memref<4x128xi32, #tpu.memory_space<vmem>> -> memref<1x128xi32, #tpu.memory_space<vmem>>
    %dma_start3A_1132 = tpu.memref_squeeze %dma_start3A_1131 : memref<1x128xi32, #tpu.memory_space<vmem>> -> memref<128xi32, #tpu.memory_space<vmem>>
    %dma_start3A_1133 = arith.constant 0 : i32
    %dma_start3A_1134 = tpu.memref_slice %arg4[%dma_start3A_1133] : memref<1000000xf32, #tpu.memory_space<hbm>> -> memref<1000000xf32, #tpu.memory_space<hbm>>
    tpu.enqueue_indirect_dma source(%dma_start3A_1134 : memref<1000000xf32, #tpu.memory_space<hbm>>) target(%dma_start3A_1129 : memref<128xf32, #tpu.memory_space<vmem>>) offsets(%dma_start3A_1132 : memref<128xi32, #tpu.memory_space<vmem>>) semaphore(%arg12 : memref<!tpu.dma_semaphore, #tpu.memory_space<semaphore_mem>>)
    %dma_start3A_1135 = arith.constant 2 : i32
    %dma_start3A_1136 = arith.constant 2 : i32
    %dma_start3A_1137 = arith.constant 0 : i32
    %dma_start3A_1138 = tpu.memref_slice %arg11[%dma_start3A_1136, %dma_start3A_1137] : memref<4x128xf32, #tpu.memory_space<vmem>> -> memref<1x128xf32, #tpu.memory_space<vmem>>
    %dma_start3A_1139 = tpu.memref_squeeze %dma_start3A_1138 : memref<1x128xf32, #tpu.memory_space<vmem>> -> memref<128xf32, #tpu.memory_space<vmem>>
    %dma_start3A_1140 = arith.constant 0 : i32
    %dma_start3A_1141 = tpu.memref_slice %arg9[%dma_start3A_1135, %dma_start3A_1140] : memref<4x128xi32, #tpu.memory_space<vmem>> -> memref<1x128xi32, #tpu.memory_space<vmem>>
    %dma_start3A_1142 = tpu.memref_squeeze %dma_start3A_1141 : memref<1x128xi32, #tpu.memory_space<vmem>> -> memref<128xi32, #tpu.memory_space<vmem>>
    %dma_start3A_1143 = arith.constant 0 : i32
    %dma_start3A_1144 = tpu.memref_slice %arg5[%dma_start3A_1143] : memref<1000001xf32, #tpu.memory_space<hbm>> -> memref<1000001xf32, #tpu.memory_space<hbm>>
    tpu.enqueue_indirect_dma source(%dma_start3A_1144 : memref<1000001xf32, #tpu.memory_space<hbm>>) target(%dma_start3A_1139 : memref<128xf32, #tpu.memory_space<vmem>>) offsets(%dma_start3A_1142 : memref<128xi32, #tpu.memory_space<vmem>>) semaphore(%arg12 : memref<!tpu.dma_semaphore, #tpu.memory_space<semaphore_mem>>)
    %dma_start3A_1145 = arith.constant 3 : i32
    %dma_start3A_1146 = arith.constant 3 : i32
    %dma_start3A_1147 = arith.constant 0 : i32
    %dma_start3A_1148 = tpu.memref_slice %arg10[%dma_start3A_1146, %dma_start3A_1147] : memref<4x128xf32, #tpu.memory_space<vmem>> -> memref<1x128xf32, #tpu.memory_space<vmem>>
    %dma_start3A_1149 = tpu.memref_squeeze %dma_start3A_1148 : memref<1x128xf32, #tpu.memory_space<vmem>> -> memref<128xf32, #tpu.memory_space<vmem>>
    %dma_start3A_1150 = arith.constant 0 : i32
    %dma_start3A_1151 = tpu.memref_slice %arg8[%dma_start3A_1145, %dma_start3A_1150] : memref<4x128xi32, #tpu.memory_space<vmem>> -> memref<1x128xi32, #tpu.memory_space<vmem>>
    %dma_start3A_1152 = tpu.memref_squeeze %dma_start3A_1151 : memref<1x128xi32, #tpu.memory_space<vmem>> -> memref<128xi32, #tpu.memory_space<vmem>>
    %dma_start3A_1153 = arith.constant 0 : i32
    %dma_start3A_1154 = tpu.memref_slice %arg4[%dma_start3A_1153] : memref<1000000xf32, #tpu.memory_space<hbm>> -> memref<1000000xf32, #tpu.memory_space<hbm>>
    tpu.enqueue_indirect_dma source(%dma_start3A_1154 : memref<1000000xf32, #tpu.memory_space<hbm>>) target(%dma_start3A_1149 : memref<128xf32, #tpu.memory_space<vmem>>) offsets(%dma_start3A_1152 : memref<128xi32, #tpu.memory_space<vmem>>) semaphore(%arg12 : memref<!tpu.dma_semaphore, #tpu.memory_space<semaphore_mem>>)
    %dma_start3A_1155 = arith.constant 3 : i32
    %dma_start3A_1156 = arith.constant 3 : i32
    %dma_start3A_1157 = arith.constant 0 : i32
    %dma_start3A_1158 = tpu.memref_slice %arg11[%dma_start3A_1156, %dma_start3A_1157] : memref<4x128xf32, #tpu.memory_space<vmem>> -> memref<1x128xf32, #tpu.memory_space<vmem>>
    %dma_start3A_1159 = tpu.memref_squeeze %dma_start3A_1158 : memref<1x128xf32, #tpu.memory_space<vmem>> -> memref<128xf32, #tpu.memory_space<vmem>>
    %dma_start3A_1160 = arith.constant 0 : i32
    %dma_start3A_1161 = tpu.memref_slice %arg9[%dma_start3A_1155, %dma_start3A_1160] : memref<4x128xi32, #tpu.memory_space<vmem>> -> memref<1x128xi32, #tpu.memory_space<vmem>>
    %dma_start3A_1162 = tpu.memref_squeeze %dma_start3A_1161 : memref<1x128xi32, #tpu.memory_space<vmem>> -> memref<128xi32, #tpu.memory_space<vmem>>
    %dma_start3A_1163 = arith.constant 0 : i32
    %dma_start3A_1164 = tpu.memref_slice %arg5[%dma_start3A_1163] : memref<1000001xf32, #tpu.memory_space<hbm>> -> memref<1000001xf32, #tpu.memory_space<hbm>>
    tpu.enqueue_indirect_dma source(%dma_start3A_1164 : memref<1000001xf32, #tpu.memory_space<hbm>>) target(%dma_start3A_1159 : memref<128xf32, #tpu.memory_space<vmem>>) offsets(%dma_start3A_1162 : memref<128xi32, #tpu.memory_space<vmem>>) semaphore(%arg12 : memref<!tpu.dma_semaphore, #tpu.memory_space<semaphore_mem>>)
    %dma_wait3A = arith.constant 0 : i32
    %dma_wait3A_1165 = arith.constant 0 : i32
    %dma_wait3A_1166 = arith.constant 0 : i32
    %dma_wait3A_1167 = tpu.memref_slice %arg10[%dma_wait3A_1165, %dma_wait3A_1166] : memref<4x128xf32, #tpu.memory_space<vmem>> -> memref<1x128xf32, #tpu.memory_space<vmem>>
    %dma_wait3A_1168 = tpu.memref_squeeze %dma_wait3A_1167 : memref<1x128xf32, #tpu.memory_space<vmem>> -> memref<128xf32, #tpu.memory_space<vmem>>
    %dma_wait3A_1169 = arith.constant 0 : i32
    %dma_wait3A_1170 = tpu.memref_slice %arg8[%dma_wait3A, %dma_wait3A_1169] : memref<4x128xi32, #tpu.memory_space<vmem>> -> memref<1x128xi32, #tpu.memory_space<vmem>>
    %dma_wait3A_1171 = tpu.memref_squeeze %dma_wait3A_1170 : memref<1x128xi32, #tpu.memory_space<vmem>> -> memref<128xi32, #tpu.memory_space<vmem>>
    %dma_wait3A_1172 = arith.constant 0 : i32
    %dma_wait3A_1173 = tpu.memref_slice %arg4[%dma_wait3A_1172] : memref<1000000xf32, #tpu.memory_space<hbm>> -> memref<1000000xf32, #tpu.memory_space<hbm>>
    tpu.wait_indirect_dma semaphore(%arg12 : memref<!tpu.dma_semaphore, #tpu.memory_space<semaphore_mem>>) src(%dma_wait3A_1173 : memref<1000000xf32, #tpu.memory_space<hbm>>) dst(%dma_wait3A_1168 : memref<128xf32, #tpu.memory_space<vmem>>)
    %dma_wait3A_1174 = arith.constant 0 : i32
    %dma_wait3A_1175 = arith.constant 0 : i32
    %dma_wait3A_1176 = arith.constant 0 : i32
    %dma_wait3A_1177 = tpu.memref_slice %arg11[%dma_wait3A_1175, %dma_wait3A_1176] : memref<4x128xf32, #tpu.memory_space<vmem>> -> memref<1x128xf32, #tpu.memory_space<vmem>>
    %dma_wait3A_1178 = tpu.memref_squeeze %dma_wait3A_1177 : memref<1x128xf32, #tpu.memory_space<vmem>> -> memref<128xf32, #tpu.memory_space<vmem>>
    %dma_wait3A_1179 = arith.constant 0 : i32
    %dma_wait3A_1180 = tpu.memref_slice %arg9[%dma_wait3A_1174, %dma_wait3A_1179] : memref<4x128xi32, #tpu.memory_space<vmem>> -> memref<1x128xi32, #tpu.memory_space<vmem>>
    %dma_wait3A_1181 = tpu.memref_squeeze %dma_wait3A_1180 : memref<1x128xi32, #tpu.memory_space<vmem>> -> memref<128xi32, #tpu.memory_space<vmem>>
    %dma_wait3A_1182 = arith.constant 0 : i32
    %dma_wait3A_1183 = tpu.memref_slice %arg5[%dma_wait3A_1182] : memref<1000001xf32, #tpu.memory_space<hbm>> -> memref<1000001xf32, #tpu.memory_space<hbm>>
    tpu.wait_indirect_dma semaphore(%arg12 : memref<!tpu.dma_semaphore, #tpu.memory_space<semaphore_mem>>) src(%dma_wait3A_1183 : memref<1000001xf32, #tpu.memory_space<hbm>>) dst(%dma_wait3A_1178 : memref<128xf32, #tpu.memory_space<vmem>>)
    %dma_wait3A_1184 = arith.constant 1 : i32
    %dma_wait3A_1185 = arith.constant 1 : i32
    %dma_wait3A_1186 = arith.constant 0 : i32
    %dma_wait3A_1187 = tpu.memref_slice %arg10[%dma_wait3A_1185, %dma_wait3A_1186] : memref<4x128xf32, #tpu.memory_space<vmem>> -> memref<1x128xf32, #tpu.memory_space<vmem>>
    %dma_wait3A_1188 = tpu.memref_squeeze %dma_wait3A_1187 : memref<1x128xf32, #tpu.memory_space<vmem>> -> memref<128xf32, #tpu.memory_space<vmem>>
    %dma_wait3A_1189 = arith.constant 0 : i32
    %dma_wait3A_1190 = tpu.memref_slice %arg8[%dma_wait3A_1184, %dma_wait3A_1189] : memref<4x128xi32, #tpu.memory_space<vmem>> -> memref<1x128xi32, #tpu.memory_space<vmem>>
    %dma_wait3A_1191 = tpu.memref_squeeze %dma_wait3A_1190 : memref<1x128xi32, #tpu.memory_space<vmem>> -> memref<128xi32, #tpu.memory_space<vmem>>
    %dma_wait3A_1192 = arith.constant 0 : i32
    %dma_wait3A_1193 = tpu.memref_slice %arg4[%dma_wait3A_1192] : memref<1000000xf32, #tpu.memory_space<hbm>> -> memref<1000000xf32, #tpu.memory_space<hbm>>
    tpu.wait_indirect_dma semaphore(%arg12 : memref<!tpu.dma_semaphore, #tpu.memory_space<semaphore_mem>>) src(%dma_wait3A_1193 : memref<1000000xf32, #tpu.memory_space<hbm>>) dst(%dma_wait3A_1188 : memref<128xf32, #tpu.memory_space<vmem>>)
    %dma_wait3A_1194 = arith.constant 1 : i32
    %dma_wait3A_1195 = arith.constant 1 : i32
    %dma_wait3A_1196 = arith.constant 0 : i32
    %dma_wait3A_1197 = tpu.memref_slice %arg11[%dma_wait3A_1195, %dma_wait3A_1196] : memref<4x128xf32, #tpu.memory_space<vmem>> -> memref<1x128xf32, #tpu.memory_space<vmem>>
    %dma_wait3A_1198 = tpu.memref_squeeze %dma_wait3A_1197 : memref<1x128xf32, #tpu.memory_space<vmem>> -> memref<128xf32, #tpu.memory_space<vmem>>
    %dma_wait3A_1199 = arith.constant 0 : i32
    %dma_wait3A_1200 = tpu.memref_slice %arg9[%dma_wait3A_1194, %dma_wait3A_1199] : memref<4x128xi32, #tpu.memory_space<vmem>> -> memref<1x128xi32, #tpu.memory_space<vmem>>
    %dma_wait3A_1201 = tpu.memref_squeeze %dma_wait3A_1200 : memref<1x128xi32, #tpu.memory_space<vmem>> -> memref<128xi32, #tpu.memory_space<vmem>>
    %dma_wait3A_1202 = arith.constant 0 : i32
    %dma_wait3A_1203 = tpu.memref_slice %arg5[%dma_wait3A_1202] : memref<1000001xf32, #tpu.memory_space<hbm>> -> memref<1000001xf32, #tpu.memory_space<hbm>>
    tpu.wait_indirect_dma semaphore(%arg12 : memref<!tpu.dma_semaphore, #tpu.memory_space<semaphore_mem>>) src(%dma_wait3A_1203 : memref<1000001xf32, #tpu.memory_space<hbm>>) dst(%dma_wait3A_1198 : memref<128xf32, #tpu.memory_space<vmem>>)
    %dma_wait3A_1204 = arith.constant 2 : i32
    %dma_wait3A_1205 = arith.constant 2 : i32
    %dma_wait3A_1206 = arith.constant 0 : i32
    %dma_wait3A_1207 = tpu.memref_slice %arg10[%dma_wait3A_1205, %dma_wait3A_1206] : memref<4x128xf32, #tpu.memory_space<vmem>> -> memref<1x128xf32, #tpu.memory_space<vmem>>
    %dma_wait3A_1208 = tpu.memref_squeeze %dma_wait3A_1207 : memref<1x128xf32, #tpu.memory_space<vmem>> -> memref<128xf32, #tpu.memory_space<vmem>>
    %dma_wait3A_1209 = arith.constant 0 : i32
    %dma_wait3A_1210 = tpu.memref_slice %arg8[%dma_wait3A_1204, %dma_wait3A_1209] : memref<4x128xi32, #tpu.memory_space<vmem>> -> memref<1x128xi32, #tpu.memory_space<vmem>>
    %dma_wait3A_1211 = tpu.memref_squeeze %dma_wait3A_1210 : memref<1x128xi32, #tpu.memory_space<vmem>> -> memref<128xi32, #tpu.memory_space<vmem>>
    %dma_wait3A_1212 = arith.constant 0 : i32
    %dma_wait3A_1213 = tpu.memref_slice %arg4[%dma_wait3A_1212] : memref<1000000xf32, #tpu.memory_space<hbm>> -> memref<1000000xf32, #tpu.memory_space<hbm>>
    tpu.wait_indirect_dma semaphore(%arg12 : memref<!tpu.dma_semaphore, #tpu.memory_space<semaphore_mem>>) src(%dma_wait3A_1213 : memref<1000000xf32, #tpu.memory_space<hbm>>) dst(%dma_wait3A_1208 : memref<128xf32, #tpu.memory_space<vmem>>)
    %dma_wait3A_1214 = arith.constant 2 : i32
    %dma_wait3A_1215 = arith.constant 2 : i32
    %dma_wait3A_1216 = arith.constant 0 : i32
    %dma_wait3A_1217 = tpu.memref_slice %arg11[%dma_wait3A_1215, %dma_wait3A_1216] : memref<4x128xf32, #tpu.memory_space<vmem>> -> memref<1x128xf32, #tpu.memory_space<vmem>>
    %dma_wait3A_1218 = tpu.memref_squeeze %dma_wait3A_1217 : memref<1x128xf32, #tpu.memory_space<vmem>> -> memref<128xf32, #tpu.memory_space<vmem>>
    %dma_wait3A_1219 = arith.constant 0 : i32
    %dma_wait3A_1220 = tpu.memref_slice %arg9[%dma_wait3A_1214, %dma_wait3A_1219] : memref<4x128xi32, #tpu.memory_space<vmem>> -> memref<1x128xi32, #tpu.memory_space<vmem>>
    %dma_wait3A_1221 = tpu.memref_squeeze %dma_wait3A_1220 : memref<1x128xi32, #tpu.memory_space<vmem>> -> memref<128xi32, #tpu.memory_space<vmem>>
    %dma_wait3A_1222 = arith.constant 0 : i32
    %dma_wait3A_1223 = tpu.memref_slice %arg5[%dma_wait3A_1222] : memref<1000001xf32, #tpu.memory_space<hbm>> -> memref<1000001xf32, #tpu.memory_space<hbm>>
    tpu.wait_indirect_dma semaphore(%arg12 : memref<!tpu.dma_semaphore, #tpu.memory_space<semaphore_mem>>) src(%dma_wait3A_1223 : memref<1000001xf32, #tpu.memory_space<hbm>>) dst(%dma_wait3A_1218 : memref<128xf32, #tpu.memory_space<vmem>>)
    %dma_wait3A_1224 = arith.constant 3 : i32
    %dma_wait3A_1225 = arith.constant 3 : i32
    %dma_wait3A_1226 = arith.constant 0 : i32
    %dma_wait3A_1227 = tpu.memref_slice %arg10[%dma_wait3A_1225, %dma_wait3A_1226] : memref<4x128xf32, #tpu.memory_space<vmem>> -> memref<1x128xf32, #tpu.memory_space<vmem>>
    %dma_wait3A_1228 = tpu.memref_squeeze %dma_wait3A_1227 : memref<1x128xf32, #tpu.memory_space<vmem>> -> memref<128xf32, #tpu.memory_space<vmem>>
    %dma_wait3A_1229 = arith.constant 0 : i32
    %dma_wait3A_1230 = tpu.memref_slice %arg8[%dma_wait3A_1224, %dma_wait3A_1229] : memref<4x128xi32, #tpu.memory_space<vmem>> -> memref<1x128xi32, #tpu.memory_space<vmem>>
    %dma_wait3A_1231 = tpu.memref_squeeze %dma_wait3A_1230 : memref<1x128xi32, #tpu.memory_space<vmem>> -> memref<128xi32, #tpu.memory_space<vmem>>
    %dma_wait3A_1232 = arith.constant 0 : i32
    %dma_wait3A_1233 = tpu.memref_slice %arg4[%dma_wait3A_1232] : memref<1000000xf32, #tpu.memory_space<hbm>> -> memref<1000000xf32, #tpu.memory_space<hbm>>
    tpu.wait_indirect_dma semaphore(%arg12 : memref<!tpu.dma_semaphore, #tpu.memory_space<semaphore_mem>>) src(%dma_wait3A_1233 : memref<1000000xf32, #tpu.memory_space<hbm>>) dst(%dma_wait3A_1228 : memref<128xf32, #tpu.memory_space<vmem>>)
    %dma_wait3A_1234 = arith.constant 3 : i32
    %dma_wait3A_1235 = arith.constant 3 : i32
    %dma_wait3A_1236 = arith.constant 0 : i32
    %dma_wait3A_1237 = tpu.memref_slice %arg11[%dma_wait3A_1235, %dma_wait3A_1236] : memref<4x128xf32, #tpu.memory_space<vmem>> -> memref<1x128xf32, #tpu.memory_space<vmem>>
    %dma_wait3A_1238 = tpu.memref_squeeze %dma_wait3A_1237 : memref<1x128xf32, #tpu.memory_space<vmem>> -> memref<128xf32, #tpu.memory_space<vmem>>
    %dma_wait3A_1239 = arith.constant 0 : i32
    %dma_wait3A_1240 = tpu.memref_slice %arg9[%dma_wait3A_1234, %dma_wait3A_1239] : memref<4x128xi32, #tpu.memory_space<vmem>> -> memref<1x128xi32, #tpu.memory_space<vmem>>
    %dma_wait3A_1241 = tpu.memref_squeeze %dma_wait3A_1240 : memref<1x128xi32, #tpu.memory_space<vmem>> -> memref<128xi32, #tpu.memory_space<vmem>>
    %dma_wait3A_1242 = arith.constant 0 : i32
    %dma_wait3A_1243 = tpu.memref_slice %arg5[%dma_wait3A_1242] : memref<1000001xf32, #tpu.memory_space<hbm>> -> memref<1000001xf32, #tpu.memory_space<hbm>>
    tpu.wait_indirect_dma semaphore(%arg12 : memref<!tpu.dma_semaphore, #tpu.memory_space<semaphore_mem>>) src(%dma_wait3A_1243 : memref<1000001xf32, #tpu.memory_space<hbm>>) dst(%dma_wait3A_1238 : memref<128xf32, #tpu.memory_space<vmem>>)
    "tpu.region"() ({
      %run_scoped3A = tpu.sem_alloc : memref<!tpu.dma_semaphore, #tpu.memory_space<semaphore_mem>>
      %dma_start3A_1244 = arith.constant 0 : i32
      %dma_start3A_1245 = tpu.memref_slice %arg6[%mul3A_2, %dma_start3A_1244] : memref<128x128xf32, #tpu.memory_space<hbm>> -> memref<4x128xf32, #tpu.memory_space<hbm>>
      %dma_start3A_1246 = arith.constant 0 : i32
      %dma_start3A_1247 = tpu.memref_slice %arg6[%mul3A_2, %dma_start3A_1246] : memref<128x128xf32, #tpu.memory_space<hbm>> -> memref<4x128xf32, #tpu.memory_space<hbm>>
      tpu.enqueue_dma source(%arg10 : memref<4x128xf32, #tpu.memory_space<vmem>>) target(%dma_start3A_1247 : memref<4x128xf32, #tpu.memory_space<hbm>>) target_semaphore(%run_scoped3A : memref<!tpu.dma_semaphore, #tpu.memory_space<semaphore_mem>>)
      %dma_wait3A_1248 = arith.constant 0 : i32
      %dma_wait3A_1249 = tpu.memref_slice %arg6[%mul3A_2, %dma_wait3A_1248] : memref<128x128xf32, #tpu.memory_space<hbm>> -> memref<4x128xf32, #tpu.memory_space<hbm>>
      %dma_wait3A_1250 = arith.constant 0 : i32
      %dma_wait3A_1251 = tpu.memref_slice %arg6[%mul3A_2, %dma_wait3A_1250] : memref<128x128xf32, #tpu.memory_space<hbm>> -> memref<4x128xf32, #tpu.memory_space<hbm>>
      tpu.wait_dma2 semaphore(%run_scoped3A : memref<!tpu.dma_semaphore, #tpu.memory_space<semaphore_mem>>) src(%arg10 : memref<4x128xf32, #tpu.memory_space<vmem>>) dst(%dma_wait3A_1251 : memref<4x128xf32, #tpu.memory_space<hbm>>)
      tpu.yield
    }) : () -> ()
    "tpu.region"() ({
      %run_scoped3A = tpu.sem_alloc : memref<!tpu.dma_semaphore, #tpu.memory_space<semaphore_mem>>
      %dma_start3A_1244 = arith.constant 0 : i32
      %dma_start3A_1245 = tpu.memref_slice %arg7[%mul3A_2, %dma_start3A_1244] : memref<128x128xf32, #tpu.memory_space<hbm>> -> memref<4x128xf32, #tpu.memory_space<hbm>>
      %dma_start3A_1246 = arith.constant 0 : i32
      %dma_start3A_1247 = tpu.memref_slice %arg7[%mul3A_2, %dma_start3A_1246] : memref<128x128xf32, #tpu.memory_space<hbm>> -> memref<4x128xf32, #tpu.memory_space<hbm>>
      tpu.enqueue_dma source(%arg11 : memref<4x128xf32, #tpu.memory_space<vmem>>) target(%dma_start3A_1247 : memref<4x128xf32, #tpu.memory_space<hbm>>) target_semaphore(%run_scoped3A : memref<!tpu.dma_semaphore, #tpu.memory_space<semaphore_mem>>)
      %dma_wait3A_1248 = arith.constant 0 : i32
      %dma_wait3A_1249 = tpu.memref_slice %arg7[%mul3A_2, %dma_wait3A_1248] : memref<128x128xf32, #tpu.memory_space<hbm>> -> memref<4x128xf32, #tpu.memory_space<hbm>>
      %dma_wait3A_1250 = arith.constant 0 : i32
      %dma_wait3A_1251 = tpu.memref_slice %arg7[%mul3A_2, %dma_wait3A_1250] : memref<128x128xf32, #tpu.memory_space<hbm>> -> memref<4x128xf32, #tpu.memory_space<hbm>>
      tpu.wait_dma2 semaphore(%run_scoped3A : memref<!tpu.dma_semaphore, #tpu.memory_space<semaphore_mem>>) src(%arg11 : memref<4x128xf32, #tpu.memory_space<vmem>>) dst(%dma_wait3A_1251 : memref<4x128xf32, #tpu.memory_space<hbm>>)
      tpu.yield
    }) : () -> ()
    return
  }
}

</mosaic_0001>

<sc_bundles>
// kernel: kernel.3.cloned.1.call-start
scs
__scs_entry_jumppad:
0x0: {  	(pc) =	sbr.rel $0x88, $3  }
0x1: {  	(tag) =	ssettag $0x0;
	lr =	simm.s32 $0x1  }
0x2: {  	[smem:$0x3F9E] =	sst lr;
	_ =	strace $0xD0000000  }
0x3: {  	_ = 	snop  }
0x4: {  	_ = 	snop  }
0x5: {  	_ = 	snop  }
0x6: {  	_ = 	snop  }
0x7: {  	_ = 	snop  }
__scs_overlays_trampoline_lowered:
0x8: {  	[smem:$0x3FAD] =	sst s0  }
0x9: {  	[smem:$0x3FAE] =	sst s1  }
0xa: {  	[smem:$0x3FAF] =	sst s2  }
0xb: {  	[smem:$0x3FB0] =	sst s3  }
0xc: {  	[smem:$0x3FB1] =	sst s4  }
0xd: {  	[smem:$0x3FB2] =	sst s5  }
0xe: {  	[smem:$0x3FB3] =	sst s6  }
0xf: {  	[smem:$0x3FB4] =	sst s7  }
0x10: {  	[smem:$0x3FB5] =	sst s8  }
0x11: {  	[smem:$0x3FB6] =	sst s9;
	s0 =	simm.s32 @!p0 $0x0  }
0x12: {  	s1 =	sld [smem:$0x3F9C];
	s0 =	simm.s32 @p0 $0x1  }
0x13: {  	[smem:$0x3FB7] =	sst s0;
	s0 =	simm.s32 @!p1 $0x0  }
0x14: {  	s2 =	sld [smem:$0x3F9B];
	s0 =	simm.s32 @p1 $0x1  }
0x15: {  	[smem:$0x3FB8] =	sst s0;
	s0 =	simm.s32 @!p2 $0x0  }
0x16: {  	s3 =	sld [smem:$0x3FDB];
	s0 =	simm.s32 @p2 $0x1  }
0x17: {  	s4 =	simm.s32 $0x1BF5;
	[smem:$0x3FBA] =	sst s0  }
0x18: {  	s0 =	sld [smem:$0x3F9D];
	_ =	swait.ge [sflag:s4], $0x0  }
0x19: {  	s7 =	sld [smem:$0x3F9E]  }
0x1a: {  	s8 =	sadd.s32 $0xFFFFE003, lr  }
0x1b: {  	s9 =	sadd.s32 $0xFFFFFEF7, lr;
	s5 =	simm.s32 $0xFFFFFFFF;
	p2 =	slt.u32 s8, $0xFFFFF086  }
0x1c: {  	p1 =	slt.u32 s9, $0xF7A;
	s5 =	simm.s32 @!p2 $0x0  }
0x1d: {  	s5 =	simm.s32 @p1 $0x1;
	p0 =	seq.s32 s7, s2  }
0x1e: {  	s7 =	smul.u32 @!p0 $0xF7A, s2;
	p2 =	seq.s32 @!p0 s5, $0x0  }
0x1f: {  	s9 =	smul.u32 $0xF7A, s1;
	s8 =	simm.s32 @!p0 $0x1BF5;
	p2 =	por !p2, p0  }
0x20: {  	[sflag:s8] =	ssyncset.s32 @!p0 $0xFFFFF086;
	s6 =	sadd.s32 @!p0 s3, s7;
	s7 =	simm.s32 @!p0 $0x108  }
0x21: {  	s3 =	sadd.s32 s3, s9;
	s6 =	sadd.s32 @!p0 $0x88, s6;
	s7 =	simm.s32 @p2 $0x1082  }
0x22: {  	[simem:s7], [sflag:s8] =	dma.local @!p0 [hbm:s6], $0xF7A  }
0x23: {  	s9 =	sor.u32 $0xD0000000, s2;
	s6 =	simm.s32 $0x108;
	_ =	swait.ge @!p0 [sflag:s8], $0x0  }
0x24: {  	s3 =	sadd.s32 $0x88, s3;
	s6 =	simm.s32 @!p1 $0x1082;
	[sflag:s4] =	ssyncset.s32 $0xFFFFF086  }
0x25: {  	[simem:s6], [sflag:s4] =	dma.local [hbm:s3], $0xF7A  }
0x26: {  	[smem:$0x3F9E] =	sst s1;
	(tag) =	ssettag s2;
	_ =	strace s9  }
0x27: {  	s1 =	sld [smem:$0x3FAE]  }
0x28: {  	s2 =	sld [smem:$0x3FAF]  }
0x29: {  	s4 =	sld [smem:$0x3FB1]  }
0x2a: {  	p0 =	seq.s32 s5, $0x0;
	s5 =	sld [smem:$0x3FB2]  }
0x2b: {  	s6 =	sld [smem:$0x3FB3]  }
0x2c: {  	s7 =	sld [smem:$0x3FB4]  }
0x2d: {  	s3 =	simm.s32 $0x108;
	s8 =	sld [smem:$0x3FB5]  }
0x2e: {  	s3 =	simm.s32 @!p0 $0x1082;
	s9 =	sld [smem:$0x3FB6]  }
0x2f: {  	lr =	sadd.s32 s0, s3;
	s0 =	sld [smem:$0x3FAD]  }
0x30: {  	s3 =	sld [smem:$0x3FB0]  }
0x31: {  	[smem:$0x3FB9] =	sst s10  }
0x32: {  	s10 =	sld [smem:$0x3FB7];
	_ =	sdelay $0x3  }
0x33: {  	p0 =	seq.s32 s10, $0x1;
	s10 =	sld [smem:$0x3FB9];
	_ =	sdelay $0x3  }
0x34: {  	[smem:$0x3FB9] =	sst s10  }
0x35: {  	s10 =	sld [smem:$0x3FB8];
	_ =	sdelay $0x3  }
0x36: {  	p1 =	seq.s32 s10, $0x1;
	s10 =	sld [smem:$0x3FB9];
	_ =	sdelay $0x3  }
0x37: {  	[smem:$0x3FB9] =	sst s10  }
0x38: {  	s10 =	sld [smem:$0x3FBA]  }
0x39: {  	_ = 	snop;
	(pc) =	sbr.ind lr, $3  }
0x3a: {  	_ = 	snop  }
0x3b: {  	_ = 	snop  }
0x3c: {  	p2 =	seq.s32 s10, $0x1;
	s10 =	sld [smem:$0x3FB9]  }
0x3d: {  	_ =	shalt  }
0x3e: {  	_ =	shalt  }
0x3f: {  	_ =	shalt  }
0x40: {  	_ =	shalt  }
0x41: {  	_ =	shalt  }
0x42: {  	_ =	shalt  }
0x43: {  	_ =	shalt  }
0x44: {  	_ =	shalt  }
0x45: {  	_ =	shalt  }
0x46: {  	_ =	shalt  }
0x47: {  	_ =	shalt  }
0x48: {  	_ =	shalt  }
0x49: {  	_ =	shalt  }
0x4a: {  	_ =	shalt  }
0x4b: {  	_ =	shalt  }
0x4c: {  	_ =	shalt  }
0x4d: {  	_ =	shalt  }
0x4e: {  	_ =	shalt  }
0x4f: {  	_ =	shalt  }
0x50: {  	_ =	shalt  }
0x51: {  	_ =	shalt  }
0x52: {  	_ =	shalt  }
0x53: {  	_ =	shalt  }
0x54: {  	_ =	shalt  }
0x55: {  	_ =	shalt  }
0x56: {  	_ =	shalt  }
0x57: {  	_ =	shalt  }
0x58: {  	_ =	shalt  }
0x59: {  	_ =	shalt  }
0x5a: {  	_ =	shalt  }
0x5b: {  	_ =	shalt  }
0x5c: {  	_ =	shalt  }
0x5d: {  	_ =	shalt  }
0x5e: {  	_ =	shalt  }
0x5f: {  	_ =	shalt  }
0x60: {  	_ =	shalt  }
0x61: {  	_ =	shalt  }
0x62: {  	_ =	shalt  }
0x63: {  	_ =	shalt  }
0x64: {  	_ =	shalt  }
0x65: {  	_ =	shalt  }
0x66: {  	_ =	shalt  }
0x67: {  	_ =	shalt  }
0x68: {  	_ =	shalt  }
0x69: {  	_ =	shalt  }
0x6a: {  	_ =	shalt  }
0x6b: {  	_ =	shalt  }
0x6c: {  	_ =	shalt  }
0x6d: {  	_ =	shalt  }
0x6e: {  	_ =	shalt  }
0x6f: {  	_ =	shalt  }
0x70: {  	_ =	shalt  }
0x71: {  	_ =	shalt  }
0x72: {  	_ =	shalt  }
0x73: {  	_ =	shalt  }
0x74: {  	_ =	shalt  }
0x75: {  	_ =	shalt  }
0x76: {  	_ =	shalt  }
0x77: {  	_ =	shalt  }
0x78: {  	_ =	shalt  }
0x79: {  	_ =	shalt  }
0x7a: {  	_ =	shalt  }
0x7b: {  	_ =	shalt  }
0x7c: {  	_ =	shalt  }
0x7d: {  	_ =	shalt  }
0x7e: {  	_ =	shalt  }
0x7f: {  	_ =	shalt  }
0x80: {  	_ =	shalt  }
0x81: {  	_ =	shalt  }
0x82: {  	_ =	shalt  }
0x83: {  	_ =	shalt  }
0x84: {  	_ =	shalt  }
0x85: {  	_ =	shalt  }
0x86: {  	_ =	shalt  }
0x87: {  	_ =	shalt  }
.Lfunc_end0:
.L_simem_size_0:
called_computation_lowered:
.L_overlay_start_0:
0x88: {  	s2 =	sld [smem:$0x3FD9]  }
0x89: {  	s3 =	sld [smem:$0x3FFE];
	_ =	sdelay $0x1  }
0x8a: {  	s1 =	srdreg.scid  }
0x8b: {  	s0 =	sand.u32 $0x1, s1  }
0x8c: {  	s17 =	sshll.u32 s0, $0xA;
	s2 =	sadd.s32 s3, s2  }
0x8d: {  	s2 =	sadd.s32 s2, s17  }
0x8e: {  	[smem:$0x3FC5] =	sst s2  }
0x8f: {  	_ = 	snop  }
0x90: {  	s2 =	sld [smem:$0x3FD0];
	(tm) =	ssettm $0x1  }
0x91: {  	s18 =	sld [smem:$0x3FFB];
	_ =	sdelay $0x3  }
0x92: {  	_ =	strace s18  }
0x93: {  	s3 =	sld [smem:$0x3FFC];
	_ =	sdelay $0x3  }
0x94: {  	_ =	strace s3  }
0x95: {  	s3 =	sld [smem:$0x3FFD];
	_ =	sdelay $0x3  }
0x96: {  	_ =	strace s3  }
0x97: {  	_ =	strace $0x8FFFFFFF  }
0x98: {  	s19 =	sld [smem:$0x3FDB];
	_ =	sdelay $0x1  }
0x99: {  	s4 =	simm.s32 $_scs_section_size  }
0x9a: {  	s5 =	simm.s32 $_size__tile_overlayer_lowered;
	s6 =	simm.s32 $_tile_overlayer_lowered  }
0x9b: {  	s22 =	simm.s32 $0x1BFF;
	s21 =	sshll.u32 s6, $0x1;
	s3 =	sadd.s32 s4, s19  }
0x9c: {  	s7 =	simm.s32 $0x0;
	s20 =	sshll.u32 s5, $0x1;
	s5 =	sadd.s32 s21, s3  }
0x9d: {  	[timem:s7], [sflag:s22] =	dma.local [hbm:s5], s20  }
0x9e: {  	_ =	swait.ge [sflag:s22], s20  }
0x9f: {  	s4 =	ssub.s32 $0x0, s20;
	[sflag:s22] =	ssyncset.done $0x0  }
0xa0: {  	[sflag:s22] =	ssyncadd.s32 s4;
	_ =	sdelay $0x1  }
0xa1: {  	s23 =	simm.s32 $0x1B8B  }
0xa2: {  	_ =	swait.ge [sflag:s23], $0x1  }
0xa3: {  	[sflag:s23] =	ssyncset.done $0x0  }
0xa4: {  	s25 =	simm.s32 $0x1B8E;
	s24 =	sld [smem:$0x3FFE];
	[sflag:s23] =	ssyncadd.s32 $0xFFFFFFFF  }
0xa5: {  	s26 =	simm.s32 $execute0_lowered;
	[smem:$0x3FD2] =	sst s25  }
0xa6: {  	s5 =	sshll.u32 s26, $0x1;
	_ =	strace $0x80000046;
	[dreg:$0x1] =	wrdreg $0xFFFFFFFF  }
0xa7: {  	s28 =	simm.s32 $_size_execute0_lowered;
	s3 =	sadd.s32 s3, s5;
	[dreg:$0x0] =	wrdreg $0x0  }
0xa8: {  	s5 =	sshll.u32 s28, $0x1;
	[dreg:$0x2] =	wrdreg s3  }
0xa9: {  	[dreg:$0x3] =	wrdreg s5  }
0xaa: {  	[dreg:$0x4] =	wrdreg $0xC0  }
0xab: {  	_ =	task [dreg:s7], $0x5FFFF  }
0xac: {  	[dreg:$0x1] =	wrdreg $0xFFFFFFFF  }
0xad: {  	[dreg:$0x0] =	wrdreg $0x60  }
0xae: {  	[dreg:$0x2] =	wrdreg s24  }
0xaf: {  	[dreg:$0x3] =	wrdreg s2  }
0xb0: {  	[dreg:$0x4] =	wrdreg $0x9  }
0xb1: {  	_ =	task.clear_ibuf [dreg:s7], $0x5FFFF;
	_ =	strace $0x90000046  }
0xb2: {  	s29 =	simm.s32 $0x9;
	_ =	strace $0x80000048  }
0xb3: {  	_ =	swait.ge [sflag:s29], $0x1  }
0xb4: {  	[sflag:s29] =	ssyncadd.s32 $0xFFFFFFFF  }
0xb5: {  	_ =	strace $0x90000048  }
0xb6: {  	_ =	sfence  }
0xb7: {  	s30 =	sld [smem:$0x0];
	_ =	sdelay $0x2  }
0xb8: {  	s31 =	sshll.u32 s1, $0xD;
	s1 =	sshrl.u32 s1, $0x2  }
0xb9: {  	s3 =	sand.u32 $0x4000, s31;
	s1 =	sadd.s32 s1, s30  }
0xba: {  	s0 =	sor.u32 s3, s0;
	s1 =	sshll.u32 s1, $0x11  }
0xbb: {  	s0 =	sor.u32 s1, s0  }
0xbc: {  	s0 =	sadd.s32 $0x8F2B, s0  }
0xbd: {  	[sflag:s0] =	ssyncadd.remote.s32 $0x1  }
0xbe: {  	_ =	sfence.sel $0xFFFF  }
0xbf: {  	[dreg:$0x0] =	wrdreg $0xFFFFFFFF;
	(pc) =	sbr.abs _section_cstart, $3  }
0xc0: {  	[dreg:$0x1] =	wrdreg $0xFFFFFFFF  }
0xc1: {  	_ =	task.clear_ibuf [dreg:s7], $0x2FFFF;
	_ =	strace $0x9FFFFFFF  }
0xc2: {  	(tm) =	ssettm $0x7FFFFFFF  }
0xc3: {  	_ =	shalt  }
tec
execute0_lowered:
.L_overlay_start_1:
0x0: {  	(tag) =	ssettag $0x1  }
0x1: {  	s5 =	rddreg [dreg:$0x0]  }
0x2: {  	s6 =	rddreg [dreg:$0x1]  }
0x3: {  	s0 =	rddreg [dreg:$0x2]  }
0x4: {  	s2 =	simm.s32 $0x0;
	s3 =	srdreg.scid;
	s1 =	stileid.u32  }
0x5: {  	s10 =	simm.s32 $0x2;
	s11 =	simm.s32 $0x200;
	s12 =	simm.s32 $0x80  }
0x6: {  	s13 =	simm.s32 $0x400;
	s14 =	simm.s32 $0x600;
	s15 =	simm.s32 $0x480  }
0x7: {  	s16 =	simm.s32 $0x280;
	s17 =	simm.s32 $0x680;
	s18 =	simm.s32 $0x100  }
0x8: {  	s19 =	simm.s32 $0x500;
	s20 =	simm.s32 $0x300;
	s21 =	simm.s32 $0x700  }
0x9: {  	s22 =	simm.s32 $0x180;
	s23 =	simm.s32 $0x580;
	s24 =	simm.s32 $0x380  }
0xa: {  	s25 =	simm.s32 $0x780;
	s26 =	simm.s32 $0x1;
	[smem:$0x7FF] =	sst s2  }
0xb: {  	s3 =	sand.u32 $0x1, s3;
	s4 =	sshll.u32 s1, $0x7;
	_ =	strace $0x80000047  }
0xc: {  	s7 =	ssub.s32 $0x2, s3;
	s8 =	sshll.u32 s3, $0x6;
	s3 =	sadd.s32 $0x800, s5  }
0xd: {  	s9 =	sshrl.u32 s7, $0x1;
	s8 =	sor.u32 s8, s4;
	s4 =	sadd.s32 $0x1F200, s5  }
0xe: {  	s9 =	ssub.s32 s7, s9;
	s5 =	sadd.s32 s5, s8;
	s6 =	sadd.s32 s6, s8  }
0xf: {  	s7 =	sadd.s32 $0x3DC00, s5;
	s8 =	sadd.s32 $0x3E400, s5;
	s9 =	smax.u32 s9, $0x1  }
.LBB2_1:
0x10: {  	[tilespmem:s2], [sflag:$0x2] =	stream.linear.gather [hbm4b:s5+s2], $0x200, $0x38;
	[tilespmem:$0x800] =	vst v63  }
0x11: {  	_ =	swait.ge [sflag:s10], $0x200  }
0x12: {  	[sflag:s10] =	ssyncset.done $0x0  }
0x13: {  	[sflag:s10] =	ssyncadd.s32 $0xFFFFFE00  }
0x14: {  	[tilespmem:s11], [sflag:$0x2] =	stream.linear.gather [hbm4b:s6+s2], $0x200, $0x38;
	[tilespmem:$0x800] =	vst v63  }
0x15: {  	_ =	swait.ge [sflag:s10], $0x200  }
0x16: {  	[sflag:s10] =	ssyncset.done $0x0  }
0x17: {  	[sflag:s10] =	ssyncadd.s32 $0xFFFFFE00  }
0x18: {  	v0 =	vld [tilespmem:$0x0]  }
0x19: {  	v1 =	vld [tilespmem:$0x200]  }
0x1a: {  	v2 =	vld [tilespmem:$0x10]  }
0x1b: {  	v3 =	vld [tilespmem:$0x210]  }
0x1c: {  	v4 =	vld [tilespmem:$0x20]  }
0x1d: {  	v5 =	vld [tilespmem:$0x220];
	vm0 =	vgt.s32 v0, $0x0  }
0x1e: {  	v6 =	vld [tilespmem:$0x30];
	vm13 =	vgt.s32 v1, $0x0;
	v0 =	vnsel vm0, $0x0, v0  }
0x1f: {  	v7 =	vld [tilespmem:$0x230];
	vm14 =	vgt.s32 v2, $0x0;
	v1 =	vnsel vm13, $0x0, v1;
	v0 =	vmin.u32 v0, $0xF423F  }
0x20: {  	v52 =	vld [tilespmem:$0x40];
	vm15 =	vgt.s32 v3, $0x0;
	v51 =	vnsel vm14, $0x0, v2;
	v50 =	vmin.u32 v1, $0xF4240;
	[tilespmem:$0x0] =	vst v0  }
0x21: {  	v55 =	vld [tilespmem:$0x240];
	vm4 =	vgt.s32 v4, $0x0;
	v54 =	vnsel vm15, $0x0, v3;
	v53 =	vmin.u32 v51, $0xF423F;
	[tilespmem:$0x200] =	vst v50  }
0x22: {  	v58 =	vld [tilespmem:$0x50];
	vm5 =	vgt.s32 v5, $0x0;
	v57 =	vnsel vm4, $0x0, v4;
	v56 =	vmin.u32 v54, $0xF4240;
	[tilespmem:$0x10] =	vst v53  }
0x23: {  	v61 =	vld [tilespmem:$0x250];
	vm6 =	vgt.s32 v6, $0x0;
	v60 =	vnsel vm5, $0x0, v5;
	v59 =	vmin.u32 v57, $0xF423F;
	[tilespmem:$0x210] =	vst v56  }
0x24: {  	v9 =	vld [tilespmem:$0x60];
	vm7 =	vgt.s32 v7, $0x0;
	v63 =	vnsel vm6, $0x0, v6;
	v62 =	vmin.u32 v60, $0xF4240;
	[tilespmem:$0x20] =	vst v59  }
0x25: {  	v12 =	vld [tilespmem:$0x260];
	vm8 =	vgt.s32 v52, $0x0;
	v11 =	vnsel vm7, $0x0, v7;
	v10 =	vmin.u32 v63, $0xF423F;
	[tilespmem:$0x220] =	vst v62  }
0x26: {  	v15 =	vld [tilespmem:$0x70];
	vm9 =	vgt.s32 v55, $0x0;
	v14 =	vnsel vm8, $0x0, v52;
	v13 =	vmin.u32 v11, $0xF4240;
	[tilespmem:$0x30] =	vst v10  }
0x27: {  	v18 =	vld [tilespmem:$0x270];
	vm10 =	vgt.s32 v58, $0x0;
	v17 =	vnsel vm9, $0x0, v55;
	v16 =	vmin.u32 v14, $0xF423F;
	[tilespmem:$0x230] =	vst v13  }
0x28: {  	v21 =	vld [tilespmem:$0x80];
	vm11 =	vgt.s32 v61, $0x0;
	v20 =	vnsel vm10, $0x0, v58;
	v19 =	vmin.u32 v17, $0xF4240;
	[tilespmem:$0x40] =	vst v16  }
0x29: {  	v24 =	vld [tilespmem:$0x280];
	vm12 =	vgt.s32 v9, $0x0;
	v23 =	vnsel vm11, $0x0, v61;
	v22 =	vmin.u32 v20, $0xF423F;
	[tilespmem:$0x240] =	vst v19  }
0x2a: {  	v27 =	vld [tilespmem:$0x90];
	v26 =	vnsel vm12, $0x0, v9;
	vm13 =	vgt.s32 v12, $0x0;
	v25 =	vmin.u32 v23, $0xF4240;
	[tilespmem:$0x50] =	vst v22  }
0x2b: {  	v30 =	vld [tilespmem:$0x290];
	vm14 =	vgt.s32 v15, $0x0;
	v28 =	vmin.u32 v26, $0xF423F;
	v29 =	vnsel vm13, $0x0, v12;
	[tilespmem:$0x250] =	vst v25  }
0x2c: {  	v33 =	vld [tilespmem:$0xA0];
	vm15 =	vgt.s32 v18, $0x0;
	v32 =	vnsel vm14, $0x0, v15;
	[tilespmem:$0x60] =	vst v28;
	v31 =	vmin.u32 v29, $0xF4240  }
0x2d: {  	v36 =	vld [tilespmem:$0x2A0];
	vm4 =	vgt.s32 v21, $0x0;
	v35 =	vnsel vm15, $0x0, v18;
	v34 =	vmin.u32 v32, $0xF423F;
	[tilespmem:$0x260] =	vst v31  }
0x2e: {  	v39 =	vld [tilespmem:$0xB0];
	vm5 =	vgt.s32 v24, $0x0;
	v38 =	vnsel vm4, $0x0, v21;
	v37 =	vmin.u32 v35, $0xF4240;
	[tilespmem:$0x70] =	vst v34  }
0x2f: {  	v42 =	vld [tilespmem:$0x2B0];
	vm6 =	vgt.s32 v27, $0x0;
	v41 =	vnsel vm5, $0x0, v24;
	v40 =	vmin.u32 v38, $0xF423F;
	[tilespmem:$0x270] =	vst v37  }
0x30: {  	v45 =	vld [tilespmem:$0xC0];
	vm7 =	vgt.s32 v30, $0x0;
	v44 =	vnsel vm6, $0x0, v27;
	v43 =	vmin.u32 v41, $0xF4240;
	[tilespmem:$0x80] =	vst v40  }
0x31: {  	v48 =	vld [tilespmem:$0x2C0];
	vm8 =	vgt.s32 v33, $0x0;
	v47 =	vnsel vm7, $0x0, v30;
	v46 =	vmin.u32 v44, $0xF423F;
	[tilespmem:$0x280] =	vst v43  }
0x32: {  	vm9 =	vgt.s32 v36, $0x0;
	v51 =	vld [tilespmem:$0xD0];
	v49 =	vmin.u32 v47, $0xF4240;
	v50 =	vnsel vm8, $0x0, v33;
	[tilespmem:$0x90] =	vst v46  }
0x33: {  	vm10 =	vgt.s32 v39, $0x0;
	v54 =	vld [tilespmem:$0x2D0];
	v53 =	vnsel vm9, $0x0, v36;
	[tilespmem:$0x290] =	vst v49;
	v52 =	vmin.u32 v50, $0xF423F  }
0x34: {  	vm11 =	vgt.s32 v42, $0x0;
	v57 =	vld [tilespmem:$0xE0];
	v56 =	vnsel vm10, $0x0, v39;
	v55 =	vmin.u32 v53, $0xF4240;
	[tilespmem:$0xA0] =	vst v52  }
0x35: {  	vm12 =	vgt.s32 v45, $0x0;
	v60 =	vld [tilespmem:$0x2E0];
	v59 =	vnsel vm11, $0x0, v42;
	v58 =	vmin.u32 v56, $0xF423F;
	[tilespmem:$0x2A0] =	vst v55  }
0x36: {  	vm13 =	vgt.s32 v48, $0x0;
	v63 =	vld [tilespmem:$0xF0];
	v62 =	vnsel vm12, $0x0, v45;
	v61 =	vmin.u32 v59, $0xF4240;
	[tilespmem:$0xB0] =	vst v58  }
0x37: {  	v11 =	vld [tilespmem:$0x2F0];
	v10 =	vnsel vm13, $0x0, v48;
	v9 =	vmin.u32 v62, $0xF423F;
	[tilespmem:$0x2B0] =	vst v61;
	vm14 =	vgt.s32 v51, $0x0  }
0x38: {  	v14 =	vld [tilespmem:$0x100];
	v12 =	vmin.u32 v10, $0xF4240;
	[tilespmem:$0xC0] =	vst v9;
	vm15 =	vgt.s32 v54, $0x0;
	v13 =	vnsel vm14, $0x0, v51  }
0x39: {  	v17 =	vld [tilespmem:$0x300];
	[tilespmem:$0x2C0] =	vst v12;
	vm4 =	vgt.s32 v57, $0x0;
	v16 =	vnsel vm15, $0x0, v54;
	v15 =	vmin.u32 v13, $0xF423F  }
0x3a: {  	v20 =	vld [tilespmem:$0x110];
	vm5 =	vgt.s32 v60, $0x0;
	v19 =	vnsel vm4, $0x0, v57;
	v18 =	vmin.u32 v16, $0xF4240;
	[tilespmem:$0xD0] =	vst v15  }
0x3b: {  	v23 =	vld [tilespmem:$0x310];
	vm6 =	vgt.s32 v63, $0x0;
	v22 =	vnsel vm5, $0x0, v60;
	v21 =	vmin.u32 v19, $0xF423F;
	[tilespmem:$0x2D0] =	vst v18  }
0x3c: {  	v26 =	vld [tilespmem:$0x120];
	vm7 =	vgt.s32 v11, $0x0;
	v25 =	vnsel vm6, $0x0, v63;
	v24 =	vmin.u32 v22, $0xF4240;
	[tilespmem:$0xE0] =	vst v21  }
0x3d: {  	v29 =	vld [tilespmem:$0x320];
	vm8 =	vgt.s32 v14, $0x0;
	v28 =	vnsel vm7, $0x0, v11;
	v27 =	vmin.u32 v25, $0xF423F;
	[tilespmem:$0x2E0] =	vst v24  }
0x3e: {  	v32 =	vld [tilespmem:$0x130];
	vm9 =	vgt.s32 v17, $0x0;
	v31 =	vnsel vm8, $0x0, v14;
	v30 =	vmin.u32 v28, $0xF4240;
	[tilespmem:$0xF0] =	vst v27  }
0x3f: {  	v35 =	vld [tilespmem:$0x330];
	vm10 =	vgt.s32 v20, $0x0;
	v34 =	vnsel vm9, $0x0, v17;
	v33 =	vmin.u32 v31, $0xF423F;
	[tilespmem:$0x2F0] =	vst v30  }
0x40: {  	v38 =	vld [tilespmem:$0x140];
	vm11 =	vgt.s32 v23, $0x0;
	v37 =	vnsel vm10, $0x0, v20;
	v36 =	vmin.u32 v34, $0xF4240;
	[tilespmem:$0x100] =	vst v33  }
0x41: {  	v41 =	vld [tilespmem:$0x340];
	vm12 =	vgt.s32 v26, $0x0;
	v40 =	vnsel vm11, $0x0, v23;
	v39 =	vmin.u32 v37, $0xF423F;
	[tilespmem:$0x300] =	vst v36  }
0x42: {  	v44 =	vld [tilespmem:$0x150];
	v43 =	vnsel vm12, $0x0, v26;
	vm13 =	vgt.s32 v29, $0x0;
	v42 =	vmin.u32 v40, $0xF4240;
	[tilespmem:$0x110] =	vst v39  }
0x43: {  	v47 =	vld [tilespmem:$0x350];
	vm14 =	vgt.s32 v32, $0x0;
	v45 =	vmin.u32 v43, $0xF423F;
	v46 =	vnsel vm13, $0x0, v29;
	[tilespmem:$0x310] =	vst v42  }
0x44: {  	v50 =	vld [tilespmem:$0x160];
	vm15 =	vgt.s32 v35, $0x0;
	v49 =	vnsel vm14, $0x0, v32;
	[tilespmem:$0x120] =	vst v45;
	v48 =	vmin.u32 v46, $0xF4240  }
0x45: {  	v53 =	vld [tilespmem:$0x360];
	vm4 =	vgt.s32 v38, $0x0;
	v52 =	vnsel vm15, $0x0, v35;
	v51 =	vmin.u32 v49, $0xF423F;
	[tilespmem:$0x320] =	vst v48  }
0x46: {  	v56 =	vld [tilespmem:$0x170];
	vm5 =	vgt.s32 v41, $0x0;
	v55 =	vnsel vm4, $0x0, v38;
	v54 =	vmin.u32 v52, $0xF4240;
	[tilespmem:$0x130] =	vst v51  }
0x47: {  	v59 =	vld [tilespmem:$0x370];
	vm6 =	vgt.s32 v44, $0x0;
	v58 =	vnsel vm5, $0x0, v41;
	v57 =	vmin.u32 v55, $0xF423F;
	[tilespmem:$0x330] =	vst v54  }
0x48: {  	v62 =	vld [tilespmem:$0x180];
	vm7 =	vgt.s32 v47, $0x0;
	v61 =	vnsel vm6, $0x0, v44;
	v60 =	vmin.u32 v58, $0xF4240;
	[tilespmem:$0x140] =	vst v57  }
0x49: {  	v10 =	vld [tilespmem:$0x380];
	v9 =	vnsel vm7, $0x0, v47;
	vm8 =	vgt.s32 v50, $0x0;
	v63 =	vmin.u32 v61, $0xF423F;
	[tilespmem:$0x340] =	vst v60  }
0x4a: {  	vm9 =	vgt.s32 v53, $0x0;
	v13 =	vld [tilespmem:$0x190];
	v11 =	vmin.u32 v9, $0xF4240;
	v12 =	vnsel vm8, $0x0, v50;
	[tilespmem:$0x150] =	vst v63  }
0x4b: {  	vm10 =	vgt.s32 v56, $0x0;
	v16 =	vld [tilespmem:$0x390];
	v15 =	vnsel vm9, $0x0, v53;
	[tilespmem:$0x350] =	vst v11;
	v14 =	vmin.u32 v12, $0xF423F  }
0x4c: {  	vm11 =	vgt.s32 v59, $0x0;
	v19 =	vld [tilespmem:$0x1A0];
	v18 =	vnsel vm10, $0x0, v56;
	v17 =	vmin.u32 v15, $0xF4240;
	[tilespmem:$0x160] =	vst v14  }
0x4d: {  	vm12 =	vgt.s32 v62, $0x0;
	v22 =	vld [tilespmem:$0x3A0];
	v21 =	vnsel vm11, $0x0, v59;
	v20 =	vmin.u32 v18, $0xF423F;
	[tilespmem:$0x360] =	vst v17  }
0x4e: {  	vm13 =	vgt.s32 v10, $0x0;
	v25 =	vld [tilespmem:$0x1B0];
	v24 =	vnsel vm12, $0x0, v62;
	v23 =	vmin.u32 v21, $0xF4240;
	[tilespmem:$0x170] =	vst v20  }
0x4f: {  	v28 =	vld [tilespmem:$0x3B0];
	v27 =	vnsel vm13, $0x0, v10;
	v26 =	vmin.u32 v24, $0xF423F;
	[tilespmem:$0x370] =	vst v23;
	vm14 =	vgt.s32 v13, $0x0  }
0x50: {  	v31 =	vld [tilespmem:$0x1C0];
	v29 =	vmin.u32 v27, $0xF4240;
	[tilespmem:$0x180] =	vst v26;
	vm15 =	vgt.s32 v16, $0x0;
	v30 =	vnsel vm14, $0x0, v13  }
0x51: {  	v34 =	vld [tilespmem:$0x3C0];
	[tilespmem:$0x380] =	vst v29;
	vm4 =	vgt.s32 v19, $0x0;
	v33 =	vnsel vm15, $0x0, v16;
	v32 =	vmin.u32 v30, $0xF423F  }
0x52: {  	v37 =	vld [tilespmem:$0x1D0];
	vm5 =	vgt.s32 v22, $0x0;
	v36 =	vnsel vm4, $0x0, v19;
	v35 =	vmin.u32 v33, $0xF4240;
	[tilespmem:$0x190] =	vst v32  }
0x53: {  	v40 =	vld [tilespmem:$0x3D0];
	vm6 =	vgt.s32 v25, $0x0;
	v39 =	vnsel vm5, $0x0, v22;
	v38 =	vmin.u32 v36, $0xF423F;
	[tilespmem:$0x390] =	vst v35  }
0x54: {  	v43 =	vld [tilespmem:$0x1E0];
	vm7 =	vgt.s32 v28, $0x0;
	v42 =	vnsel vm6, $0x0, v25;
	v41 =	vmin.u32 v39, $0xF4240;
	[tilespmem:$0x1A0] =	vst v38  }
0x55: {  	v46 =	vld [tilespmem:$0x3E0];
	vm8 =	vgt.s32 v31, $0x0;
	v45 =	vnsel vm7, $0x0, v28;
	v44 =	vmin.u32 v42, $0xF423F;
	[tilespmem:$0x3A0] =	vst v41  }
0x56: {  	v49 =	vld [tilespmem:$0x1F0];
	vm9 =	vgt.s32 v34, $0x0;
	v48 =	vnsel vm8, $0x0, v31;
	v47 =	vmin.u32 v45, $0xF4240;
	[tilespmem:$0x1B0] =	vst v44  }
0x57: {  	v52 =	vld [tilespmem:$0x3F0];
	vm10 =	vgt.s32 v37, $0x0;
	v51 =	vnsel vm9, $0x0, v34;
	v50 =	vmin.u32 v48, $0xF423F;
	[tilespmem:$0x3B0] =	vst v47  }
0x58: {  	vm11 =	vgt.s32 v40, $0x0;
	v54 =	vnsel vm10, $0x0, v37;
	v53 =	vmin.u32 v51, $0xF4240;
	[tilespmem:$0x1C0] =	vst v50  }
0x59: {  	vm12 =	vgt.s32 v43, $0x0;
	v56 =	vnsel vm11, $0x0, v40;
	v55 =	vmin.u32 v54, $0xF423F;
	[tilespmem:$0x3C0] =	vst v53  }
0x5a: {  	v58 =	vnsel vm12, $0x0, v43;
	vm13 =	vgt.s32 v46, $0x0;
	v57 =	vmin.u32 v56, $0xF4240;
	[tilespmem:$0x1D0] =	vst v55  }
0x5b: {  	vm14 =	vgt.s32 v49, $0x0;
	v59 =	vmin.u32 v58, $0xF423F;
	v60 =	vnsel vm13, $0x0, v46;
	[tilespmem:$0x3D0] =	vst v57  }
0x5c: {  	vm15 =	vgt.s32 v52, $0x0;
	v62 =	vnsel vm14, $0x0, v49;
	[tilespmem:$0x1E0] =	vst v59;
	v61 =	vmin.u32 v60, $0xF4240  }
0x5d: {  	v63 =	vnsel vm15, $0x0, v52;
	v1 =	vmin.u32 v62, $0xF423F;
	[tilespmem:$0x3E0] =	vst v61  }
0x5e: {  	v0 =	vmin.u32 v63, $0xF4240;
	[tilespmem:$0x1F0] =	vst v1  }
0x5f: {  	[tilespmem:$0x3F0] =	vst v0  }
0x60: {  	[tilespmem:s13], [sflag:$0x1] =	stream.indirect.gather [hbm4b:s3+s12], $0x1, s2, s12, $0xb8;
	[tilespmem:$0x800] =	vst v63  }
0x61: {  	_ = 	snop  }
0x62: {  	[tilespmem:s14], [sflag:$0x1] =	stream.indirect.gather [hbm4b:s4+s12], $0x1, s11, s12, $0xb8;
	[tilespmem:$0x800] =	vst v63  }
0x63: {  	_ = 	snop  }
0x64: {  	[tilespmem:s15], [sflag:$0x1] =	stream.indirect.gather [hbm4b:s3+s12], $0x1, s12, s12, $0xb8;
	[tilespmem:$0x800] =	vst v63  }
0x65: {  	_ = 	snop  }
0x66: {  	[tilespmem:s17], [sflag:$0x1] =	stream.indirect.gather [hbm4b:s4+s12], $0x1, s16, s12, $0xb8;
	[tilespmem:$0x800] =	vst v63  }
0x67: {  	_ = 	snop  }
0x68: {  	[tilespmem:s19], [sflag:$0x1] =	stream.indirect.gather [hbm4b:s3+s12], $0x1, s18, s12, $0xb8;
	[tilespmem:$0x800] =	vst v63  }
0x69: {  	_ = 	snop  }
0x6a: {  	[tilespmem:s21], [sflag:$0x1] =	stream.indirect.gather [hbm4b:s4+s12], $0x1, s20, s12, $0xb8;
	[tilespmem:$0x800] =	vst v63  }
0x6b: {  	_ = 	snop  }
0x6c: {  	[tilespmem:s23], [sflag:$0x1] =	stream.indirect.gather [hbm4b:s3+s12], $0x1, s22, s12, $0xb8;
	[tilespmem:$0x800] =	vst v63  }
0x6d: {  	_ = 	snop  }
0x6e: {  	[tilespmem:s25], [sflag:$0x1] =	stream.indirect.gather [hbm4b:s4+s12], $0x1, s24, s12, $0xb8;
	[tilespmem:$0x800] =	vst v63  }
0x6f: {  	_ =	swait.ge [sflag:s26], $0x80  }
0x70: {  	[sflag:s26] =	ssyncset.done $0x0  }
0x71: {  	[sflag:s26] =	ssyncadd.s32 $0xFFFFFF80  }
0x72: {  	_ =	swait.ge [sflag:s26], $0x80  }
0x73: {  	[sflag:s26] =	ssyncset.done $0x0  }
0x74: {  	[sflag:s26] =	ssyncadd.s32 $0xFFFFFF80  }
0x75: {  	_ =	swait.ge [sflag:s26], $0x80  }
0x76: {  	[sflag:s26] =	ssyncset.done $0x0  }
0x77: {  	[sflag:s26] =	ssyncadd.s32 $0xFFFFFF80  }
0x78: {  	_ =	swait.ge [sflag:s26], $0x80  }
0x79: {  	[sflag:s26] =	ssyncset.done $0x0  }
0x7a: {  	[sflag:s26] =	ssyncadd.s32 $0xFFFFFF80  }
0x7b: {  	_ =	swait.ge [sflag:s26], $0x80  }
0x7c: {  	[sflag:s26] =	ssyncset.done $0x0  }
0x7d: {  	[sflag:s26] =	ssyncadd.s32 $0xFFFFFF80  }
0x7e: {  	_ =	swait.ge [sflag:s26], $0x80  }
0x7f: {  	[sflag:s26] =	ssyncset.done $0x0  }
0x80: {  	[sflag:s26] =	ssyncadd.s32 $0xFFFFFF80  }
0x81: {  	_ =	swait.ge [sflag:s26], $0x80  }
0x82: {  	[sflag:s26] =	ssyncset.done $0x0  }
0x83: {  	[sflag:s26] =	ssyncadd.s32 $0xFFFFFF80  }
0x84: {  	_ =	swait.ge [sflag:s26], $0x80  }
0x85: {  	[sflag:s26] =	ssyncset.done $0x0  }
0x86: {  	[sflag:s26] =	ssyncadd.s32 $0xFFFFFF80  }
0x87: {  	[hbm4b:s7+s2] =	stream.linear.scatter [tilespmem:s13], [sflag:$0x2], $0x200, $0x38;
	[tilespmem:$0x800] =	vst v63  }
0x88: {  	_ =	swait.ge [sflag:s10], $0x200  }
0x89: {  	p0 =	sne.s32 s9, $0x1;
	[sflag:s10] =	ssyncset.done $0x0  }
.Ltmp0:
0x8a: {  	[sflag:s10] =	ssyncadd.s32 $0xFFFFFE00;
	(pc) =	sbr.rel @p0 .LBB2_1-.Ltmp0, $4  }
0x8b: {  	[hbm4b:s8+s2] =	stream.linear.scatter [tilespmem:s14], [sflag:$0x2], $0x200, $0x38;
	[tilespmem:$0x800] =	vst v63  }
0x8c: {  	_ =	swait.ge [sflag:s10], $0x200  }
0x8d: {  	[sflag:s10] =	ssyncset.done $0x0  }
0x8e: {  	s9 =	sadd.s32 $0xFFFFFFFF, s9;
	[sflag:s10] =	ssyncadd.s32 $0xFFFFFE00  }
0x8f: {  	_ =	sfence.sel $0x180000  }
0x90: {  	[bflag:$0x0] =	sbarrier.arrive $0xFFFF  }
0x91: {  	p0 =	sne.s32 s1, $0x0;
	_ =	strace $0x90000047  }
0x92: {  	s0 =	sadd.s32 @!p0 $0x100000, s0;
	[bflag:$0x2] =	sbarrier.arrive $0xFFFF  }
0x93: {  	[sflag:s0] =	ssyncadd.tile.s32 @!p0 $0x1;
	_ =	shalt  }
.Lfunc_end2:
_tile_overlayer_lowered:
.L_overlay_start_2:
0x94: {  	(tag) =	ssettag $0x2  }
0x95: {  	s0 =	rddreg [dreg:$0x0];
	s2 =	stileid.u32  }
0x96: {  	s1 =	rddreg [dreg:$0x1];
	p0 =	sne.s32 s2, $0x0  }
0x97: {  	s3 =	rddreg [dreg:$0x2];
	[bflag:$0x3] =	sbarrier.arrive $0xFFFF;
	s2 =	simm.s32 @!p0 $0x1C02  }
0x98: {  	[timem:s3], [sflag:s2] =	dma.local @!p0 [hbm:s0], s1  }
0x99: {  	s0 =	simm.s32 @!p0 $0x2  }
0x9a: {  	_ =	swait.ge @!p0 [sflag:s0], s1  }
0x9b: {  	s1 =	ssub.s32 @!p0 $0x0, s1;
	[sflag:s0] =	ssyncset.done @!p0 $0x0  }
0x9c: {  	[sflag:s0] =	ssyncadd.s32 @!p0 s1  }
0x9d: {  	[bflag:$0x3] =	sbarrier.arrive $0xFFFF  }
0x9e: {  	_ =	shalt  }

</sc_bundles>
